<compile_context>
chip_gen: v7x
topology: tpu7x:2x2x1
jax: 0.10.2.dev20260603
libtpu: 0.0.44.dev20260713+nightly
codegen_flags: <defaults>
</compile_context>

<pallas_src>
import jax
import jax.numpy as jnp
from jax import lax
from jax.experimental import pallas as pl
from jax.experimental.pallas import tpu as pltpu
from jax.experimental.pallas import tpu_sc as plsc

B = 4096
L = 50
EMB = 300
EMBP = 304
ACCC = 304
HID = 300
NCLS = 1000

NC = 2
NS = 16
NW = NC * NS

EX_PER_W = B // NW
HALF = EX_PER_W // 2


MAINC = 256
TAILC = 128


def _sc_pool_body(idxt_hbm, emb_hbm, tail_hbm, zeros_hbm, out_hbm,
                  idx_v, acc_v, main0_v, main1_v, tail0_v, tail1_v, sem0, sem1):
    c = lax.axis_index("c")
    s = lax.axis_index("s")
    wid = s * NC + c

    pltpu.sync_copy(idxt_hbm.at[:, pl.ds(wid * EX_PER_W, EX_PER_W)], idx_v)
    pltpu.sync_copy(zeros_hbm, acc_v)

    def start_gather(g, h, mbuf, tbuf, sem):
        isl = idx_v.at[g, pl.ds(h * HALF, HALF)]
        pltpu.async_copy(emb_hbm.at[isl, pl.ds(0, MAINC)], mbuf, sem)
        pltpu.async_copy(tail_hbm.at[isl], tbuf, sem)

    def wait_gather(mbuf, tbuf, sem):
        isl = idx_v.at[0, pl.ds(0, HALF)]
        pltpu.make_async_copy(emb_hbm.at[isl, pl.ds(0, MAINC)], mbuf, sem).wait()
        pltpu.make_async_copy(tail_hbm.at[isl], tbuf, sem).wait()

    def accumulate(mbuf, tbuf, row_base):
        @plsc.parallel_loop(0, HALF, step=1, unroll=8)
        def row_body(r):
            msrc = mbuf.at[r]
            tsrc = tbuf.at[r]
            dst = acc_v.at[row_base + r]
            for cc in range(MAINC // 16):
                plsc.addupdate(dst.at[pl.ds(cc * 16, 16)],
                               msrc[pl.ds(cc * 16, 16)])
            for cc in range((ACCC - MAINC) // 16):
                plsc.addupdate(dst.at[pl.ds(MAINC + cc * 16, 16)],
                               tsrc[pl.ds(cc * 16, 16)])

    start_gather(0, 0, main0_v, tail0_v, sem0)

    def g_body(g, carry):
        start_gather(g, 1, main1_v, tail1_v, sem1)
        wait_gather(main0_v, tail0_v, sem0)
        accumulate(main0_v, tail0_v, 0)

        @pl.when(g < L - 1)
        def _():
            start_gather(g + 1, 0, main0_v, tail0_v, sem0)

        wait_gather(main1_v, tail1_v, sem1)
        accumulate(main1_v, tail1_v, HALF)
        return carry

    lax.fori_loop(0, L, g_body, 0)

    pltpu.sync_copy(acc_v, out_hbm.at[pl.ds(wid * EX_PER_W, EX_PER_W)])


def _sc_pool(idx_t, emb, emb_tail, zeros):
    fn = pl.kernel(
        _sc_pool_body,
        out_type=jax.ShapeDtypeStruct((B, EMBP), jnp.float32),
        mesh=plsc.VectorSubcoreMesh(core_axis_name="c", subcore_axis_name="s",
                                    num_cores=NC, num_subcores=NS),
        scratch_types=[
            pltpu.VMEM((L, EX_PER_W), jnp.int32),
            pltpu.VMEM((EX_PER_W, EMBP), jnp.float32),
            pltpu.VMEM((HALF, MAINC), jnp.float32),
            pltpu.VMEM((HALF, MAINC), jnp.float32),
            pltpu.VMEM((HALF, TAILC), jnp.float32),
            pltpu.VMEM((HALF, TAILC), jnp.float32),
            pltpu.SemaphoreType.DMA,
            pltpu.SemaphoreType.DMA,
        ],
    )
    return fn(idx_t, emb, emb_tail, zeros)


def _mlp_body(x_ref, len_ref, w1_ref, b1_ref, w2_ref, b2_ref, out_ref):
    x = x_ref[...] / len_ref[...]
    h = jnp.dot(x, w1_ref[...], preferred_element_type=jnp.float32) + b1_ref[...]
    h = jnp.maximum(h, 0.0)
    out_ref[...] = jnp.dot(h, w2_ref[...], preferred_element_type=jnp.float32) + b2_ref[...]


def _mlp(pooled, text_len, W1p, b1, W2, b2):
    BLK = 1024
    grid = (B // BLK,)
    return pl.pallas_call(
        _mlp_body,
        grid=grid,
        in_specs=[
            pl.BlockSpec((BLK, EMBP), lambda i: (i, 0)),
            pl.BlockSpec((BLK, 1), lambda i: (i, 0)),
            pl.BlockSpec((EMBP, HID), lambda i: (0, 0)),
            pl.BlockSpec((1, HID), lambda i: (0, 0)),
            pl.BlockSpec((HID, NCLS), lambda i: (0, 0)),
            pl.BlockSpec((1, NCLS), lambda i: (0, 0)),
        ],
        out_specs=pl.BlockSpec((BLK, NCLS), lambda i: (i, 0)),
        out_shape=jax.ShapeDtypeStruct((B, NCLS), jnp.float32),
    )(pooled, text_len, W1p, b1, W2, b2)


def kernel(input_text, text_len, emb, W1, b1, W2, b2):
    idx_t = input_text.T
    emb_tail = jnp.pad(emb[:, MAINC:], ((0, 0), (0, TAILC - (EMB - MAINC))))
    zeros = jnp.zeros((EX_PER_W, EMBP), jnp.float32)
    pooled = _sc_pool(idx_t, emb, emb_tail, zeros)
    W1p = jnp.pad(W1, ((0, EMBP - EMB), (0, 0)))
    return _mlp(pooled, text_len.reshape(B, 1), W1p, b1.reshape(1, HID),
                W2, b2.reshape(1, NCLS))

# --- scband reference (transcript-rebuilt; emitter-appended) ---
"""Pipeline reference for scband-dan-model-27513560498623 (READ-ONLY COPY).

The authoritative reference and input builder live on the scoring server;
editing this copy changes nothing except your own understanding.
"""

import jax, jax.numpy as jnp
import numpy as np

B = 4096
L = 50
VOCAB = 100000
EMB = 300
HID = 300
NCLS = 1000


def setup_inputs(seed: int = 0) -> dict:
    key = jax.random.key(seed)
    k1, k2, k3, k4, k5 = jax.random.split(key, 5)
    input_text = jax.random.randint(k1, (B, L), 0, VOCAB, dtype=jnp.int64 if jax.config.jax_enable_x64 else jnp.int32).astype(jnp.int32)
    text_len = jnp.ones((B,), dtype=jnp.float32)
    emb = jax.random.normal(k2, (VOCAB, EMB), dtype=jnp.float32) * 0.02
    emb = emb.at[0].set(0.0)  # padding_idx=0
    W1 = jax.random.normal(k3, (EMB, HID), dtype=jnp.float32) * (1.0 / np.sqrt(EMB))
    b1 = jnp.zeros((HID,), dtype=jnp.float32)
    W2 = jax.random.normal(k4, (HID, NCLS), dtype=jnp.float32) * (1.0 / np.sqrt(HID))
    b2 = jnp.zeros((NCLS,), dtype=jnp.float32)
    return {"input_text": input_text, "text_len": text_len, "emb": emb,
            "W1": W1, "b1": b1, "W2": W2, "b2": b2}


def reference(input_text, text_len, emb, W1, b1, W2, b2):
    # embeds = self.embeddings(input_text)
    embeds = jnp.take(emb, input_text, axis=0)          # [B, L, EMB]
    # encoded = embeds.sum(1)
    encoded = embeds.sum(axis=1)                        # [B, EMB]
    # encoded /= text_len.view(B, -1)
    encoded = encoded / text_len.reshape(embeds.shape[0], -1)
    # logits = linear2(relu(linear1(encoded)))
    h = jax.nn.relu(encoded @ W1 + b1)
    logits = h @ W2 + b2                                # [B, NCLS]
    return logits

if __name__ == "__main__":
    import jax
    _d = setup_inputs()
    print(jax.jit(kernel)(*tuple(_d.values())))

</pallas_src>

<mosaic_0001>
#map = affine_map<(d0, d1) -> (0, 0)>
module attributes {stable_mosaic.version = 14 : i64} {
  func.func @_sc_pool_body(%arg0: i32, %arg1: i32, %arg2: memref<50x4096xi32, #tpu.memory_space<hbm>>, %arg3: memref<100000x300xf32, #tpu.memory_space<hbm>>, %arg4: memref<100000x128xf32, #tpu.memory_space<hbm>>, %arg5: memref<128x304xf32, #tpu.memory_space<hbm>>, %arg6: memref<4096x304xf32, #tpu.memory_space<hbm>>, %arg7: memref<50x128xi32, #tpu.memory_space<vmem>>, %arg8: memref<128x304xf32, #tpu.memory_space<vmem>>, %arg9: memref<64x256xf32, #tpu.memory_space<vmem>>, %arg10: memref<64x256xf32, #tpu.memory_space<vmem>>, %arg11: memref<64x128xf32, #tpu.memory_space<vmem>>, %arg12: memref<64x128xf32, #tpu.memory_space<vmem>>, %arg13: memref<!tpu.dma_semaphore, #tpu.memory_space<semaphore_mem>>, %arg14: memref<!tpu.dma_semaphore, #tpu.memory_space<semaphore_mem>>) attributes {dimension_semantics = [#tpu.dimension_semantics<core_parallel>, #tpu.dimension_semantics<subcore_parallel>], iteration_bounds = array<i64: 2, 16>, scalar_prefetch = 0 : i64, scratch_operands = 8 : i64, tpu.core_type = #tpu.core_type<sc_vector_subcore>, window_params = [{transform_indices = #map}, {transform_indices = #map}, {transform_indices = #map}, {transform_indices = #map}, {transform_indices = #map}]} {
    %mul3A = arith.constant 2 : i32
    %mul3A_0 = arith.muli %arg1, %mul3A : i32
    %add3A = arith.addi %mul3A_0, %arg0 : i32
    %mul3A_1 = arith.constant 128 : i32
    %mul3A_2 = arith.muli %add3A, %mul3A_1 : i32
    "tpu.region"() ({
      %run_scoped3A = tpu.sem_alloc : memref<!tpu.dma_semaphore, #tpu.memory_space<semaphore_mem>>
      %dma_start3A_23 = arith.constant 0 : i32
      %dma_start3A_24 = tpu.memref_slice %arg2[%dma_start3A_23, %mul3A_2] : memref<50x4096xi32, #tpu.memory_space<hbm>> -> memref<50x128xi32, #tpu.memory_space<hbm>>
      %dma_start3A_25 = arith.constant 0 : i32
      %dma_start3A_26 = tpu.memref_slice %arg2[%dma_start3A_25, %mul3A_2] : memref<50x4096xi32, #tpu.memory_space<hbm>> -> memref<50x128xi32, #tpu.memory_space<hbm>>
      tpu.enqueue_dma source(%dma_start3A_26 : memref<50x128xi32, #tpu.memory_space<hbm>>) target(%arg7 : memref<50x128xi32, #tpu.memory_space<vmem>>) target_semaphore(%run_scoped3A : memref<!tpu.dma_semaphore, #tpu.memory_space<semaphore_mem>>)
      %dma_wait3A = arith.constant 0 : i32
      %dma_wait3A_27 = tpu.memref_slice %arg2[%dma_wait3A, %mul3A_2] : memref<50x4096xi32, #tpu.memory_space<hbm>> -> memref<50x128xi32, #tpu.memory_space<hbm>>
      %dma_wait3A_28 = arith.constant 0 : i32
      %dma_wait3A_29 = tpu.memref_slice %arg2[%dma_wait3A_28, %mul3A_2] : memref<50x4096xi32, #tpu.memory_space<hbm>> -> memref<50x128xi32, #tpu.memory_space<hbm>>
      tpu.wait_dma2 semaphore(%run_scoped3A : memref<!tpu.dma_semaphore, #tpu.memory_space<semaphore_mem>>) src(%dma_wait3A_29 : memref<50x128xi32, #tpu.memory_space<hbm>>) dst(%arg7 : memref<50x128xi32, #tpu.memory_space<vmem>>)
      tpu.yield
    }) : () -> ()
    "tpu.region"() ({
      %run_scoped3A = tpu.sem_alloc : memref<!tpu.dma_semaphore, #tpu.memory_space<semaphore_mem>>
      tpu.enqueue_dma source(%arg5 : memref<128x304xf32, #tpu.memory_space<hbm>>) target(%arg8 : memref<128x304xf32, #tpu.memory_space<vmem>>) target_semaphore(%run_scoped3A : memref<!tpu.dma_semaphore, #tpu.memory_space<semaphore_mem>>)
      tpu.wait_dma2 semaphore(%run_scoped3A : memref<!tpu.dma_semaphore, #tpu.memory_space<semaphore_mem>>) src(%arg5 : memref<128x304xf32, #tpu.memory_space<hbm>>) dst(%arg8 : memref<128x304xf32, #tpu.memory_space<vmem>>)
      tpu.yield
    }) : () -> ()
    %dma_start3A = arith.constant 0 : i32
    %dma_start3A_3 = arith.constant 0 : i32
    %dma_start3A_4 = tpu.memref_slice %arg7[%dma_start3A, %dma_start3A_3] : memref<50x128xi32, #tpu.memory_space<vmem>> -> memref<1x64xi32, #tpu.memory_space<vmem>>
    %dma_start3A_5 = tpu.memref_squeeze %dma_start3A_4 : memref<1x64xi32, #tpu.memory_space<vmem>> -> memref<64xi32, #tpu.memory_space<vmem>>
    %dma_start3A_6 = arith.constant 0 : i32
    %dma_start3A_7 = arith.constant 0 : i32
    %dma_start3A_8 = tpu.memref_slice %arg3[%dma_start3A_6, %dma_start3A_7] : memref<100000x300xf32, #tpu.memory_space<hbm>> -> memref<100000x256xf32, #tpu.memory_space<hbm>>
    tpu.enqueue_indirect_dma source(%dma_start3A_8 : memref<100000x256xf32, #tpu.memory_space<hbm>>) target(%arg9 : memref<64x256xf32, #tpu.memory_space<vmem>>) offsets(%dma_start3A_5 : memref<64xi32, #tpu.memory_space<vmem>>) semaphore(%arg13 : memref<!tpu.dma_semaphore, #tpu.memory_space<semaphore_mem>>)
    %dma_start3A_9 = arith.constant 0 : i32
    %dma_start3A_10 = arith.constant 0 : i32
    %dma_start3A_11 = tpu.memref_slice %arg7[%dma_start3A_9, %dma_start3A_10] : memref<50x128xi32, #tpu.memory_space<vmem>> -> memref<1x64xi32, #tpu.memory_space<vmem>>
    %dma_start3A_12 = tpu.memref_squeeze %dma_start3A_11 : memref<1x64xi32, #tpu.memory_space<vmem>> -> memref<64xi32, #tpu.memory_space<vmem>>
    %dma_start3A_13 = arith.constant 0 : i32
    %dma_start3A_14 = arith.constant 0 : i32
    %dma_start3A_15 = tpu.memref_slice %arg4[%dma_start3A_13, %dma_start3A_14] : memref<100000x128xf32, #tpu.memory_space<hbm>> -> memref<100000x128xf32, #tpu.memory_space<hbm>>
    tpu.enqueue_indirect_dma source(%dma_start3A_15 : memref<100000x128xf32, #tpu.memory_space<hbm>>) target(%arg11 : memref<64x128xf32, #tpu.memory_space<vmem>>) offsets(%dma_start3A_12 : memref<64xi32, #tpu.memory_space<vmem>>) semaphore(%arg13 : memref<!tpu.dma_semaphore, #tpu.memory_space<semaphore_mem>>)
    %scan3A = arith.constant 0 : i32
    %scan3A_16 = arith.constant 0 : i32
    %scan3A_17 = arith.constant 50 : i32
    %scan3A_18 = arith.addi %scan3A_16, %scan3A_17 : i32
    %scan3A_19 = arith.constant 1 : i32
    scf.for %scan3A_23 = %scan3A_16 to %scan3A_18 step %scan3A_19  : i32 {
      %dma_start3A_24 = arith.constant 64 : i32
      %dma_start3A_25 = tpu.memref_slice %arg7[%scan3A_23, %dma_start3A_24] : memref<50x128xi32, #tpu.memory_space<vmem>> -> memref<1x64xi32, #tpu.memory_space<vmem>>
      %dma_start3A_26 = tpu.memref_squeeze %dma_start3A_25 : memref<1x64xi32, #tpu.memory_space<vmem>> -> memref<64xi32, #tpu.memory_space<vmem>>
      %dma_start3A_27 = arith.constant 0 : i32
      %dma_start3A_28 = arith.constant 0 : i32
      %dma_start3A_29 = tpu.memref_slice %arg3[%dma_start3A_27, %dma_start3A_28] : memref<100000x300xf32, #tpu.memory_space<hbm>> -> memref<100000x256xf32, #tpu.memory_space<hbm>>
      tpu.enqueue_indirect_dma source(%dma_start3A_29 : memref<100000x256xf32, #tpu.memory_space<hbm>>) target(%arg10 : memref<64x256xf32, #tpu.memory_space<vmem>>) offsets(%dma_start3A_26 : memref<64xi32, #tpu.memory_space<vmem>>) semaphore(%arg14 : memref<!tpu.dma_semaphore, #tpu.memory_space<semaphore_mem>>)
      %dma_start3A_30 = arith.constant 64 : i32
      %dma_start3A_31 = tpu.memref_slice %arg7[%scan3A_23, %dma_start3A_30] : memref<50x128xi32, #tpu.memory_space<vmem>> -> memref<1x64xi32, #tpu.memory_space<vmem>>
      %dma_start3A_32 = tpu.memref_squeeze %dma_start3A_31 : memref<1x64xi32, #tpu.memory_space<vmem>> -> memref<64xi32, #tpu.memory_space<vmem>>
      %dma_start3A_33 = arith.constant 0 : i32
      %dma_start3A_34 = arith.constant 0 : i32
      %dma_start3A_35 = tpu.memref_slice %arg4[%dma_start3A_33, %dma_start3A_34] : memref<100000x128xf32, #tpu.memory_space<hbm>> -> memref<100000x128xf32, #tpu.memory_space<hbm>>
      tpu.enqueue_indirect_dma source(%dma_start3A_35 : memref<100000x128xf32, #tpu.memory_space<hbm>>) target(%arg12 : memref<64x128xf32, #tpu.memory_space<vmem>>) offsets(%dma_start3A_32 : memref<64xi32, #tpu.memory_space<vmem>>) semaphore(%arg14 : memref<!tpu.dma_semaphore, #tpu.memory_space<semaphore_mem>>)
      %dma_wait3A = arith.constant 0 : i32
      %dma_wait3A_36 = arith.constant 0 : i32
      %dma_wait3A_37 = tpu.memref_slice %arg7[%dma_wait3A, %dma_wait3A_36] : memref<50x128xi32, #tpu.memory_space<vmem>> -> memref<1x64xi32, #tpu.memory_space<vmem>>
      %dma_wait3A_38 = tpu.memref_squeeze %dma_wait3A_37 : memref<1x64xi32, #tpu.memory_space<vmem>> -> memref<64xi32, #tpu.memory_space<vmem>>
      %dma_wait3A_39 = arith.constant 0 : i32
      %dma_wait3A_40 = arith.constant 0 : i32
      %dma_wait3A_41 = tpu.memref_slice %arg3[%dma_wait3A_39, %dma_wait3A_40] : memref<100000x300xf32, #tpu.memory_space<hbm>> -> memref<100000x256xf32, #tpu.memory_space<hbm>>
      tpu.wait_indirect_dma semaphore(%arg13 : memref<!tpu.dma_semaphore, #tpu.memory_space<semaphore_mem>>) src(%dma_wait3A_41 : memref<100000x256xf32, #tpu.memory_space<hbm>>) dst(%arg9 : memref<64x256xf32, #tpu.memory_space<vmem>>)
      %dma_wait3A_42 = arith.constant 0 : i32
      %dma_wait3A_43 = arith.constant 0 : i32
      %dma_wait3A_44 = tpu.memref_slice %arg7[%dma_wait3A_42, %dma_wait3A_43] : memref<50x128xi32, #tpu.memory_space<vmem>> -> memref<1x64xi32, #tpu.memory_space<vmem>>
      %dma_wait3A_45 = tpu.memref_squeeze %dma_wait3A_44 : memref<1x64xi32, #tpu.memory_space<vmem>> -> memref<64xi32, #tpu.memory_space<vmem>>
      %dma_wait3A_46 = arith.constant 0 : i32
      %dma_wait3A_47 = arith.constant 0 : i32
      %dma_wait3A_48 = tpu.memref_slice %arg4[%dma_wait3A_46, %dma_wait3A_47] : memref<100000x128xf32, #tpu.memory_space<hbm>> -> memref<100000x128xf32, #tpu.memory_space<hbm>>
      tpu.wait_indirect_dma semaphore(%arg13 : memref<!tpu.dma_semaphore, #tpu.memory_space<semaphore_mem>>) src(%dma_wait3A_48 : memref<100000x128xf32, #tpu.memory_space<hbm>>) dst(%arg11 : memref<64x128xf32, #tpu.memory_space<vmem>>)
      %parallel_loop3A = arith.constant 0 : i32
      %parallel_loop3A_49 = arith.constant 64 : i32
      %parallel_loop3A_50 = arith.constant 1 : i32
      scf.for %parallel_loop3A_70 = %parallel_loop3A to %parallel_loop3A_49 step %parallel_loop3A_50  : i32 {
        %parallel_loop3A_71 = arith.constant 0 : i32
        %parallel_loop3A_72 = arith.addi %parallel_loop3A_71, %parallel_loop3A_70 : i32
        %parallel_loop3A_73 = arith.constant 0 : i32
        %parallel_loop3A_74 = tpu.memref_slice %arg9[%parallel_loop3A_70, %parallel_loop3A_73] : memref<64x256xf32, #tpu.memory_space<vmem>> -> memref<1x256xf32, #tpu.memory_space<vmem>>
        %parallel_loop3A_75 = tpu.memref_squeeze %parallel_loop3A_74 : memref<1x256xf32, #tpu.memory_space<vmem>> -> memref<256xf32, #tpu.memory_space<vmem>>
        %parallel_loop3A_76 = arith.constant 0 : index
        %parallel_loop3A_77 = tpu.vector_load %parallel_loop3A_75[%parallel_loop3A_76] {strides = array<i32>} : memref<256xf32, #tpu.memory_space<vmem>>, vector<16xf32>,
        %parallel_loop3A_78 = vector.shape_cast %parallel_loop3A_77 : vector<16xf32> to vector<16xf32>
        %parallel_loop3A_79 = arith.constant 0 : i32
        %parallel_loop3A_80 = tpu.memref_slice %arg8[%parallel_loop3A_72, %parallel_loop3A_79] : memref<128x304xf32, #tpu.memory_space<vmem>> -> memref<1x304xf32, #tpu.memory_space<vmem>>
        %parallel_loop3A_81 = tpu.memref_squeeze %parallel_loop3A_80 : memref<1x304xf32, #tpu.memory_space<vmem>> -> memref<304xf32, #tpu.memory_space<vmem>>
        %parallel_loop3A_82 = arith.constant 0 : index
        %parallel_loop3A_83 = tpu.vector_load %parallel_loop3A_81[%parallel_loop3A_82] {strides = array<i32>} : memref<304xf32, #tpu.memory_space<vmem>>, vector<16xf32>,
        %parallel_loop3A_84 = vector.shape_cast %parallel_loop3A_83 : vector<16xf32> to vector<16xf32>
        %parallel_loop3A_85 = vector.shape_cast %parallel_loop3A_78 : vector<16xf32> to vector<16xf32>
        tpu.vector_store %parallel_loop3A_81[%parallel_loop3A_82], %parallel_loop3A_85 {add = true, strides = array<i32>} : memref<304xf32, #tpu.memory_space<vmem>>, vector<16xf32>,
        %parallel_loop3A_86 = arith.constant 0 : i32
        %parallel_loop3A_87 = tpu.memref_slice %arg9[%parallel_loop3A_70, %parallel_loop3A_86] : memref<64x256xf32, #tpu.memory_space<vmem>> -> memref<1x256xf32, #tpu.memory_space<vmem>>
        %parallel_loop3A_88 = tpu.memref_squeeze %parallel_loop3A_87 : memref<1x256xf32, #tpu.memory_space<vmem>> -> memref<256xf32, #tpu.memory_space<vmem>>
        %parallel_loop3A_89 = arith.constant 16 : index
        %parallel_loop3A_90 = tpu.vector_load %parallel_loop3A_88[%parallel_loop3A_89] {strides = array<i32>} : memref<256xf32, #tpu.memory_space<vmem>>, vector<16xf32>,
        %parallel_loop3A_91 = vector.shape_cast %parallel_loop3A_90 : vector<16xf32> to vector<16xf32>
        %parallel_loop3A_92 = arith.constant 0 : i32
        %parallel_loop3A_93 = tpu.memref_slice %arg8[%parallel_loop3A_72, %parallel_loop3A_92] : memref<128x304xf32, #tpu.memory_space<vmem>> -> memref<1x304xf32, #tpu.memory_space<vmem>>
        %parallel_loop3A_94 = tpu.memref_squeeze %parallel_loop3A_93 : memref<1x304xf32, #tpu.memory_space<vmem>> -> memref<304xf32, #tpu.memory_space<vmem>>
        %parallel_loop3A_95 = arith.constant 16 : index
        %parallel_loop3A_96 = tpu.vector_load %parallel_loop3A_94[%parallel_loop3A_95] {strides = array<i32>} : memref<304xf32, #tpu.memory_space<vmem>>, vector<16xf32>,
        %parallel_loop3A_97 = vector.shape_cast %parallel_loop3A_96 : vector<16xf32> to vector<16xf32>
        %parallel_loop3A_98 = vector.shape_cast %parallel_loop3A_91 : vector<16xf32> to vector<16xf32>
        tpu.vector_store %parallel_loop3A_94[%parallel_loop3A_95], %parallel_loop3A_98 {add = true, strides = array<i32>} : memref<304xf32, #tpu.memory_space<vmem>>, vector<16xf32>,
        %parallel_loop3A_99 = arith.constant 0 : i32
        %parallel_loop3A_100 = tpu.memref_slice %arg9[%parallel_loop3A_70, %parallel_loop3A_99] : memref<64x256xf32, #tpu.memory_space<vmem>> -> memref<1x256xf32, #tpu.memory_space<vmem>>
        %parallel_loop3A_101 = tpu.memref_squeeze %parallel_loop3A_100 : memref<1x256xf32, #tpu.memory_space<vmem>> -> memref<256xf32, #tpu.memory_space<vmem>>
        %parallel_loop3A_102 = arith.constant 32 : index
        %parallel_loop3A_103 = tpu.vector_load %parallel_loop3A_101[%parallel_loop3A_102] {strides = array<i32>} : memref<256xf32, #tpu.memory_space<vmem>>, vector<16xf32>,
        %parallel_loop3A_104 = vector.shape_cast %parallel_loop3A_103 : vector<16xf32> to vector<16xf32>
        %parallel_loop3A_105 = arith.constant 0 : i32
        %parallel_loop3A_106 = tpu.memref_slice %arg8[%parallel_loop3A_72, %parallel_loop3A_105] : memref<128x304xf32, #tpu.memory_space<vmem>> -> memref<1x304xf32, #tpu.memory_space<vmem>>
        %parallel_loop3A_107 = tpu.memref_squeeze %parallel_loop3A_106 : memref<1x304xf32, #tpu.memory_space<vmem>> -> memref<304xf32, #tpu.memory_space<vmem>>
        %parallel_loop3A_108 = arith.constant 32 : index
        %parallel_loop3A_109 = tpu.vector_load %parallel_loop3A_107[%parallel_loop3A_108] {strides = array<i32>} : memref<304xf32, #tpu.memory_space<vmem>>, vector<16xf32>,
        %parallel_loop3A_110 = vector.shape_cast %parallel_loop3A_109 : vector<16xf32> to vector<16xf32>
        %parallel_loop3A_111 = vector.shape_cast %parallel_loop3A_104 : vector<16xf32> to vector<16xf32>
        tpu.vector_store %parallel_loop3A_107[%parallel_loop3A_108], %parallel_loop3A_111 {add = true, strides = array<i32>} : memref<304xf32, #tpu.memory_space<vmem>>, vector<16xf32>,
        %parallel_loop3A_112 = arith.constant 0 : i32
        %parallel_loop3A_113 = tpu.memref_slice %arg9[%parallel_loop3A_70, %parallel_loop3A_112] : memref<64x256xf32, #tpu.memory_space<vmem>> -> memref<1x256xf32, #tpu.memory_space<vmem>>
        %parallel_loop3A_114 = tpu.memref_squeeze %parallel_loop3A_113 : memref<1x256xf32, #tpu.memory_space<vmem>> -> memref<256xf32, #tpu.memory_space<vmem>>
        %parallel_loop3A_115 = arith.constant 48 : index
        %parallel_loop3A_116 = tpu.vector_load %parallel_loop3A_114[%parallel_loop3A_115] {strides = array<i32>} : memref<256xf32, #tpu.memory_space<vmem>>, vector<16xf32>,
        %parallel_loop3A_117 = vector.shape_cast %parallel_loop3A_116 : vector<16xf32> to vector<16xf32>
        %parallel_loop3A_118 = arith.constant 0 : i32
        %parallel_loop3A_119 = tpu.memref_slice %arg8[%parallel_loop3A_72, %parallel_loop3A_118] : memref<128x304xf32, #tpu.memory_space<vmem>> -> memref<1x304xf32, #tpu.memory_space<vmem>>
        %parallel_loop3A_120 = tpu.memref_squeeze %parallel_loop3A_119 : memref<1x304xf32, #tpu.memory_space<vmem>> -> memref<304xf32, #tpu.memory_space<vmem>>
        %parallel_loop3A_121 = arith.constant 48 : index
        %parallel_loop3A_122 = tpu.vector_load %parallel_loop3A_120[%parallel_loop3A_121] {strides = array<i32>} : memref<304xf32, #tpu.memory_space<vmem>>, vector<16xf32>,
        %parallel_loop3A_123 = vector.shape_cast %parallel_loop3A_122 : vector<16xf32> to vector<16xf32>
        %parallel_loop3A_124 = vector.shape_cast %parallel_loop3A_117 : vector<16xf32> to vector<16xf32>
        tpu.vector_store %parallel_loop3A_120[%parallel_loop3A_121], %parallel_loop3A_124 {add = true, strides = array<i32>} : memref<304xf32, #tpu.memory_space<vmem>>, vector<16xf32>,
        %parallel_loop3A_125 = arith.constant 0 : i32
        %parallel_loop3A_126 = tpu.memref_slice %arg9[%parallel_loop3A_70, %parallel_loop3A_125] : memref<64x256xf32, #tpu.memory_space<vmem>> -> memref<1x256xf32, #tpu.memory_space<vmem>>
        %parallel_loop3A_127 = tpu.memref_squeeze %parallel_loop3A_126 : memref<1x256xf32, #tpu.memory_space<vmem>> -> memref<256xf32, #tpu.memory_space<vmem>>
        %parallel_loop3A_128 = arith.constant 64 : index
        %parallel_loop3A_129 = tpu.vector_load %parallel_loop3A_127[%parallel_loop3A_128] {strides = array<i32>} : memref<256xf32, #tpu.memory_space<vmem>>, vector<16xf32>,
        %parallel_loop3A_130 = vector.shape_cast %parallel_loop3A_129 : vector<16xf32> to vector<16xf32>
        %parallel_loop3A_131 = arith.constant 0 : i32
        %parallel_loop3A_132 = tpu.memref_slice %arg8[%parallel_loop3A_72, %parallel_loop3A_131] : memref<128x304xf32, #tpu.memory_space<vmem>> -> memref<1x304xf32, #tpu.memory_space<vmem>>
        %parallel_loop3A_133 = tpu.memref_squeeze %parallel_loop3A_132 : memref<1x304xf32, #tpu.memory_space<vmem>> -> memref<304xf32, #tpu.memory_space<vmem>>
        %parallel_loop3A_134 = arith.constant 64 : index
        %parallel_loop3A_135 = tpu.vector_load %parallel_loop3A_133[%parallel_loop3A_134] {strides = array<i32>} : memref<304xf32, #tpu.memory_space<vmem>>, vector<16xf32>,
        %parallel_loop3A_136 = vector.shape_cast %parallel_loop3A_135 : vector<16xf32> to vector<16xf32>
        %parallel_loop3A_137 = vector.shape_cast %parallel_loop3A_130 : vector<16xf32> to vector<16xf32>
        tpu.vector_store %parallel_loop3A_133[%parallel_loop3A_134], %parallel_loop3A_137 {add = true, strides = array<i32>} : memref<304xf32, #tpu.memory_space<vmem>>, vector<16xf32>,
        %parallel_loop3A_138 = arith.constant 0 : i32
        %parallel_loop3A_139 = tpu.memref_slice %arg9[%parallel_loop3A_70, %parallel_loop3A_138] : memref<64x256xf32, #tpu.memory_space<vmem>> -> memref<1x256xf32, #tpu.memory_space<vmem>>
        %parallel_loop3A_140 = tpu.memref_squeeze %parallel_loop3A_139 : memref<1x256xf32, #tpu.memory_space<vmem>> -> memref<256xf32, #tpu.memory_space<vmem>>
        %parallel_loop3A_141 = arith.constant 80 : index
        %parallel_loop3A_142 = tpu.vector_load %parallel_loop3A_140[%parallel_loop3A_141] {strides = array<i32>} : memref<256xf32, #tpu.memory_space<vmem>>, vector<16xf32>,
        %parallel_loop3A_143 = vector.shape_cast %parallel_loop3A_142 : vector<16xf32> to vector<16xf32>
        %parallel_loop3A_144 = arith.constant 0 : i32
        %parallel_loop3A_145 = tpu.memref_slice %arg8[%parallel_loop3A_72, %parallel_loop3A_144] : memref<128x304xf32, #tpu.memory_space<vmem>> -> memref<1x304xf32, #tpu.memory_space<vmem>>
        %parallel_loop3A_146 = tpu.memref_squeeze %parallel_loop3A_145 : memref<1x304xf32, #tpu.memory_space<vmem>> -> memref<304xf32, #tpu.memory_space<vmem>>
        %parallel_loop3A_147 = arith.constant 80 : index
        %parallel_loop3A_148 = tpu.vector_load %parallel_loop3A_146[%parallel_loop3A_147] {strides = array<i32>} : memref<304xf32, #tpu.memory_space<vmem>>, vector<16xf32>,
        %parallel_loop3A_149 = vector.shape_cast %parallel_loop3A_148 : vector<16xf32> to vector<16xf32>
        %parallel_loop3A_150 = vector.shape_cast %parallel_loop3A_143 : vector<16xf32> to vector<16xf32>
        tpu.vector_store %parallel_loop3A_146[%parallel_loop3A_147], %parallel_loop3A_150 {add = true, strides = array<i32>} : memref<304xf32, #tpu.memory_space<vmem>>, vector<16xf32>,
        %parallel_loop3A_151 = arith.constant 0 : i32
        %parallel_loop3A_152 = tpu.memref_slice %arg9[%parallel_loop3A_70, %parallel_loop3A_151] : memref<64x256xf32, #tpu.memory_space<vmem>> -> memref<1x256xf32, #tpu.memory_space<vmem>>
        %parallel_loop3A_153 = tpu.memref_squeeze %parallel_loop3A_152 : memref<1x256xf32, #tpu.memory_space<vmem>> -> memref<256xf32, #tpu.memory_space<vmem>>
        %parallel_loop3A_154 = arith.constant 96 : index
        %parallel_loop3A_155 = tpu.vector_load %parallel_loop3A_153[%parallel_loop3A_154] {strides = array<i32>} : memref<256xf32, #tpu.memory_space<vmem>>, vector<16xf32>,
        %parallel_loop3A_156 = vector.shape_cast %parallel_loop3A_155 : vector<16xf32> to vector<16xf32>
        %parallel_loop3A_157 = arith.constant 0 : i32
        %parallel_loop3A_158 = tpu.memref_slice %arg8[%parallel_loop3A_72, %parallel_loop3A_157] : memref<128x304xf32, #tpu.memory_space<vmem>> -> memref<1x304xf32, #tpu.memory_space<vmem>>
        %parallel_loop3A_159 = tpu.memref_squeeze %parallel_loop3A_158 : memref<1x304xf32, #tpu.memory_space<vmem>> -> memref<304xf32, #tpu.memory_space<vmem>>
        %parallel_loop3A_160 = arith.constant 96 : index
        %parallel_loop3A_161 = tpu.vector_load %parallel_loop3A_159[%parallel_loop3A_160] {strides = array<i32>} : memref<304xf32, #tpu.memory_space<vmem>>, vector<16xf32>,
        %parallel_loop3A_162 = vector.shape_cast %parallel_loop3A_161 : vector<16xf32> to vector<16xf32>
        %parallel_loop3A_163 = vector.shape_cast %parallel_loop3A_156 : vector<16xf32> to vector<16xf32>
        tpu.vector_store %parallel_loop3A_159[%parallel_loop3A_160], %parallel_loop3A_163 {add = true, strides = array<i32>} : memref<304xf32, #tpu.memory_space<vmem>>, vector<16xf32>,
        %parallel_loop3A_164 = arith.constant 0 : i32
        %parallel_loop3A_165 = tpu.memref_slice %arg9[%parallel_loop3A_70, %parallel_loop3A_164] : memref<64x256xf32, #tpu.memory_space<vmem>> -> memref<1x256xf32, #tpu.memory_space<vmem>>
        %parallel_loop3A_166 = tpu.memref_squeeze %parallel_loop3A_165 : memref<1x256xf32, #tpu.memory_space<vmem>> -> memref<256xf32, #tpu.memory_space<vmem>>
        %parallel_loop3A_167 = arith.constant 112 : index
        %parallel_loop3A_168 = tpu.vector_load %parallel_loop3A_166[%parallel_loop3A_167] {strides = array<i32>} : memref<256xf32, #tpu.memory_space<vmem>>, vector<16xf32>,
        %parallel_loop3A_169 = vector.shape_cast %parallel_loop3A_168 : vector<16xf32> to vector<16xf32>
        %parallel_loop3A_170 = arith.constant 0 : i32
        %parallel_loop3A_171 = tpu.memref_slice %arg8[%parallel_loop3A_72, %parallel_loop3A_170] : memref<128x304xf32, #tpu.memory_space<vmem>> -> memref<1x304xf32, #tpu.memory_space<vmem>>
        %parallel_loop3A_172 = tpu.memref_squeeze %parallel_loop3A_171 : memref<1x304xf32, #tpu.memory_space<vmem>> -> memref<304xf32, #tpu.memory_space<vmem>>
        %parallel_loop3A_173 = arith.constant 112 : index
        %parallel_loop3A_174 = tpu.vector_load %parallel_loop3A_172[%parallel_loop3A_173] {strides = array<i32>} : memref<304xf32, #tpu.memory_space<vmem>>, vector<16xf32>,
        %parallel_loop3A_175 = vector.shape_cast %parallel_loop3A_174 : vector<16xf32> to vector<16xf32>
        %parallel_loop3A_176 = vector.shape_cast %parallel_loop3A_169 : vector<16xf32> to vector<16xf32>
        tpu.vector_store %parallel_loop3A_172[%parallel_loop3A_173], %parallel_loop3A_176 {add = true, strides = array<i32>} : memref<304xf32, #tpu.memory_space<vmem>>, vector<16xf32>,
        %parallel_loop3A_177 = arith.constant 0 : i32
        %parallel_loop3A_178 = tpu.memref_slice %arg9[%parallel_loop3A_70, %parallel_loop3A_177] : memref<64x256xf32, #tpu.memory_space<vmem>> -> memref<1x256xf32, #tpu.memory_space<vmem>>
        %parallel_loop3A_179 = tpu.memref_squeeze %parallel_loop3A_178 : memref<1x256xf32, #tpu.memory_space<vmem>> -> memref<256xf32, #tpu.memory_space<vmem>>
        %parallel_loop3A_180 = arith.constant 128 : index
        %parallel_loop3A_181 = tpu.vector_load %parallel_loop3A_179[%parallel_loop3A_180] {strides = array<i32>} : memref<256xf32, #tpu.memory_space<vmem>>, vector<16xf32>,
        %parallel_loop3A_182 = vector.shape_cast %parallel_loop3A_181 : vector<16xf32> to vector<16xf32>
        %parallel_loop3A_183 = arith.constant 0 : i32
        %parallel_loop3A_184 = tpu.memref_slice %arg8[%parallel_loop3A_72, %parallel_loop3A_183] : memref<128x304xf32, #tpu.memory_space<vmem>> -> memref<1x304xf32, #tpu.memory_space<vmem>>
        %parallel_loop3A_185 = tpu.memref_squeeze %parallel_loop3A_184 : memref<1x304xf32, #tpu.memory_space<vmem>> -> memref<304xf32, #tpu.memory_space<vmem>>
        %parallel_loop3A_186 = arith.constant 128 : index
        %parallel_loop3A_187 = tpu.vector_load %parallel_loop3A_185[%parallel_loop3A_186] {strides = array<i32>} : memref<304xf32, #tpu.memory_space<vmem>>, vector<16xf32>,
        %parallel_loop3A_188 = vector.shape_cast %parallel_loop3A_187 : vector<16xf32> to vector<16xf32>
        %parallel_loop3A_189 = vector.shape_cast %parallel_loop3A_182 : vector<16xf32> to vector<16xf32>
        tpu.vector_store %parallel_loop3A_185[%parallel_loop3A_186], %parallel_loop3A_189 {add = true, strides = array<i32>} : memref<304xf32, #tpu.memory_space<vmem>>, vector<16xf32>,
        %parallel_loop3A_190 = arith.constant 0 : i32
        %parallel_loop3A_191 = tpu.memref_slice %arg9[%parallel_loop3A_70, %parallel_loop3A_190] : memref<64x256xf32, #tpu.memory_space<vmem>> -> memref<1x256xf32, #tpu.memory_space<vmem>>
        %parallel_loop3A_192 = tpu.memref_squeeze %parallel_loop3A_191 : memref<1x256xf32, #tpu.memory_space<vmem>> -> memref<256xf32, #tpu.memory_space<vmem>>
        %parallel_loop3A_193 = arith.constant 144 : index
        %parallel_loop3A_194 = tpu.vector_load %parallel_loop3A_192[%parallel_loop3A_193] {strides = array<i32>} : memref<256xf32, #tpu.memory_space<vmem>>, vector<16xf32>,
        %parallel_loop3A_195 = vector.shape_cast %parallel_loop3A_194 : vector<16xf32> to vector<16xf32>
        %parallel_loop3A_196 = arith.constant 0 : i32
        %parallel_loop3A_197 = tpu.memref_slice %arg8[%parallel_loop3A_72, %parallel_loop3A_196] : memref<128x304xf32, #tpu.memory_space<vmem>> -> memref<1x304xf32, #tpu.memory_space<vmem>>
        %parallel_loop3A_198 = tpu.memref_squeeze %parallel_loop3A_197 : memref<1x304xf32, #tpu.memory_space<vmem>> -> memref<304xf32, #tpu.memory_space<vmem>>
        %parallel_loop3A_199 = arith.constant 144 : index
        %parallel_loop3A_200 = tpu.vector_load %parallel_loop3A_198[%parallel_loop3A_199] {strides = array<i32>} : memref<304xf32, #tpu.memory_space<vmem>>, vector<16xf32>,
        %parallel_loop3A_201 = vector.shape_cast %parallel_loop3A_200 : vector<16xf32> to vector<16xf32>
        %parallel_loop3A_202 = vector.shape_cast %parallel_loop3A_195 : vector<16xf32> to vector<16xf32>
        tpu.vector_store %parallel_loop3A_198[%parallel_loop3A_199], %parallel_loop3A_202 {add = true, strides = array<i32>} : memref<304xf32, #tpu.memory_space<vmem>>, vector<16xf32>,
        %parallel_loop3A_203 = arith.constant 0 : i32
        %parallel_loop3A_204 = tpu.memref_slice %arg9[%parallel_loop3A_70, %parallel_loop3A_203] : memref<64x256xf32, #tpu.memory_space<vmem>> -> memref<1x256xf32, #tpu.memory_space<vmem>>
        %parallel_loop3A_205 = tpu.memref_squeeze %parallel_loop3A_204 : memref<1x256xf32, #tpu.memory_space<vmem>> -> memref<256xf32, #tpu.memory_space<vmem>>
        %parallel_loop3A_206 = arith.constant 160 : index
        %parallel_loop3A_207 = tpu.vector_load %parallel_loop3A_205[%parallel_loop3A_206] {strides = array<i32>} : memref<256xf32, #tpu.memory_space<vmem>>, vector<16xf32>,
        %parallel_loop3A_208 = vector.shape_cast %parallel_loop3A_207 : vector<16xf32> to vector<16xf32>
        %parallel_loop3A_209 = arith.constant 0 : i32
        %parallel_loop3A_210 = tpu.memref_slice %arg8[%parallel_loop3A_72, %parallel_loop3A_209] : memref<128x304xf32, #tpu.memory_space<vmem>> -> memref<1x304xf32, #tpu.memory_space<vmem>>
        %parallel_loop3A_211 = tpu.memref_squeeze %parallel_loop3A_210 : memref<1x304xf32, #tpu.memory_space<vmem>> -> memref<304xf32, #tpu.memory_space<vmem>>
        %parallel_loop3A_212 = arith.constant 160 : index
        %parallel_loop3A_213 = tpu.vector_load %parallel_loop3A_211[%parallel_loop3A_212] {strides = array<i32>} : memref<304xf32, #tpu.memory_space<vmem>>, vector<16xf32>,
        %parallel_loop3A_214 = vector.shape_cast %parallel_loop3A_213 : vector<16xf32> to vector<16xf32>
        %parallel_loop3A_215 = vector.shape_cast %parallel_loop3A_208 : vector<16xf32> to vector<16xf32>
        tpu.vector_store %parallel_loop3A_211[%parallel_loop3A_212], %parallel_loop3A_215 {add = true, strides = array<i32>} : memref<304xf32, #tpu.memory_space<vmem>>, vector<16xf32>,
        %parallel_loop3A_216 = arith.constant 0 : i32
        %parallel_loop3A_217 = tpu.memref_slice %arg9[%parallel_loop3A_70, %parallel_loop3A_216] : memref<64x256xf32, #tpu.memory_space<vmem>> -> memref<1x256xf32, #tpu.memory_space<vmem>>
        %parallel_loop3A_218 = tpu.memref_squeeze %parallel_loop3A_217 : memref<1x256xf32, #tpu.memory_space<vmem>> -> memref<256xf32, #tpu.memory_space<vmem>>
        %parallel_loop3A_219 = arith.constant 176 : index
        %parallel_loop3A_220 = tpu.vector_load %parallel_loop3A_218[%parallel_loop3A_219] {strides = array<i32>} : memref<256xf32, #tpu.memory_space<vmem>>, vector<16xf32>,
        %parallel_loop3A_221 = vector.shape_cast %parallel_loop3A_220 : vector<16xf32> to vector<16xf32>
        %parallel_loop3A_222 = arith.constant 0 : i32
        %parallel_loop3A_223 = tpu.memref_slice %arg8[%parallel_loop3A_72, %parallel_loop3A_222] : memref<128x304xf32, #tpu.memory_space<vmem>> -> memref<1x304xf32, #tpu.memory_space<vmem>>
        %parallel_loop3A_224 = tpu.memref_squeeze %parallel_loop3A_223 : memref<1x304xf32, #tpu.memory_space<vmem>> -> memref<304xf32, #tpu.memory_space<vmem>>
        %parallel_loop3A_225 = arith.constant 176 : index
        %parallel_loop3A_226 = tpu.vector_load %parallel_loop3A_224[%parallel_loop3A_225] {strides = array<i32>} : memref<304xf32, #tpu.memory_space<vmem>>, vector<16xf32>,
        %parallel_loop3A_227 = vector.shape_cast %parallel_loop3A_226 : vector<16xf32> to vector<16xf32>
        %parallel_loop3A_228 = vector.shape_cast %parallel_loop3A_221 : vector<16xf32> to vector<16xf32>
        tpu.vector_store %parallel_loop3A_224[%parallel_loop3A_225], %parallel_loop3A_228 {add = true, strides = array<i32>} : memref<304xf32, #tpu.memory_space<vmem>>, vector<16xf32>,
        %parallel_loop3A_229 = arith.constant 0 : i32
        %parallel_loop3A_230 = tpu.memref_slice %arg9[%parallel_loop3A_70, %parallel_loop3A_229] : memref<64x256xf32, #tpu.memory_space<vmem>> -> memref<1x256xf32, #tpu.memory_space<vmem>>
        %parallel_loop3A_231 = tpu.memref_squeeze %parallel_loop3A_230 : memref<1x256xf32, #tpu.memory_space<vmem>> -> memref<256xf32, #tpu.memory_space<vmem>>
        %parallel_loop3A_232 = arith.constant 192 : index
        %parallel_loop3A_233 = tpu.vector_load %parallel_loop3A_231[%parallel_loop3A_232] {strides = array<i32>} : memref<256xf32, #tpu.memory_space<vmem>>, vector<16xf32>,
        %parallel_loop3A_234 = vector.shape_cast %parallel_loop3A_233 : vector<16xf32> to vector<16xf32>
        %parallel_loop3A_235 = arith.constant 0 : i32
        %parallel_loop3A_236 = tpu.memref_slice %arg8[%parallel_loop3A_72, %parallel_loop3A_235] : memref<128x304xf32, #tpu.memory_space<vmem>> -> memref<1x304xf32, #tpu.memory_space<vmem>>
        %parallel_loop3A_237 = tpu.memref_squeeze %parallel_loop3A_236 : memref<1x304xf32, #tpu.memory_space<vmem>> -> memref<304xf32, #tpu.memory_space<vmem>>
        %parallel_loop3A_238 = arith.constant 192 : index
        %parallel_loop3A_239 = tpu.vector_load %parallel_loop3A_237[%parallel_loop3A_238] {strides = array<i32>} : memref<304xf32, #tpu.memory_space<vmem>>, vector<16xf32>,
        %parallel_loop3A_240 = vector.shape_cast %parallel_loop3A_239 : vector<16xf32> to vector<16xf32>
        %parallel_loop3A_241 = vector.shape_cast %parallel_loop3A_234 : vector<16xf32> to vector<16xf32>
        tpu.vector_store %parallel_loop3A_237[%parallel_loop3A_238], %parallel_loop3A_241 {add = true, strides = array<i32>} : memref<304xf32, #tpu.memory_space<vmem>>, vector<16xf32>,
        %parallel_loop3A_242 = arith.constant 0 : i32
        %parallel_loop3A_243 = tpu.memref_slice %arg9[%parallel_loop3A_70, %parallel_loop3A_242] : memref<64x256xf32, #tpu.memory_space<vmem>> -> memref<1x256xf32, #tpu.memory_space<vmem>>
        %parallel_loop3A_244 = tpu.memref_squeeze %parallel_loop3A_243 : memref<1x256xf32, #tpu.memory_space<vmem>> -> memref<256xf32, #tpu.memory_space<vmem>>
        %parallel_loop3A_245 = arith.constant 208 : index
        %parallel_loop3A_246 = tpu.vector_load %parallel_loop3A_244[%parallel_loop3A_245] {strides = array<i32>} : memref<256xf32, #tpu.memory_space<vmem>>, vector<16xf32>,
        %parallel_loop3A_247 = vector.shape_cast %parallel_loop3A_246 : vector<16xf32> to vector<16xf32>
        %parallel_loop3A_248 = arith.constant 0 : i32
        %parallel_loop3A_249 = tpu.memref_slice %arg8[%parallel_loop3A_72, %parallel_loop3A_248] : memref<128x304xf32, #tpu.memory_space<vmem>> -> memref<1x304xf32, #tpu.memory_space<vmem>>
        %parallel_loop3A_250 = tpu.memref_squeeze %parallel_loop3A_249 : memref<1x304xf32, #tpu.memory_space<vmem>> -> memref<304xf32, #tpu.memory_space<vmem>>
        %parallel_loop3A_251 = arith.constant 208 : index
        %parallel_loop3A_252 = tpu.vector_load %parallel_loop3A_250[%parallel_loop3A_251] {strides = array<i32>} : memref<304xf32, #tpu.memory_space<vmem>>, vector<16xf32>,
        %parallel_loop3A_253 = vector.shape_cast %parallel_loop3A_252 : vector<16xf32> to vector<16xf32>
        %parallel_loop3A_254 = vector.shape_cast %parallel_loop3A_247 : vector<16xf32> to vector<16xf32>
        tpu.vector_store %parallel_loop3A_250[%parallel_loop3A_251], %parallel_loop3A_254 {add = true, strides = array<i32>} : memref<304xf32, #tpu.memory_space<vmem>>, vector<16xf32>,
        %parallel_loop3A_255 = arith.constant 0 : i32
        %parallel_loop3A_256 = tpu.memref_slice %arg9[%parallel_loop3A_70, %parallel_loop3A_255] : memref<64x256xf32, #tpu.memory_space<vmem>> -> memref<1x256xf32, #tpu.memory_space<vmem>>
        %parallel_loop3A_257 = tpu.memref_squeeze %parallel_loop3A_256 : memref<1x256xf32, #tpu.memory_space<vmem>> -> memref<256xf32, #tpu.memory_space<vmem>>
        %parallel_loop3A_258 = arith.constant 224 : index
        %parallel_loop3A_259 = tpu.vector_load %parallel_loop3A_257[%parallel_loop3A_258] {strides = array<i32>} : memref<256xf32, #tpu.memory_space<vmem>>, vector<16xf32>,
        %parallel_loop3A_260 = vector.shape_cast %parallel_loop3A_259 : vector<16xf32> to vector<16xf32>
        %parallel_loop3A_261 = arith.constant 0 : i32
        %parallel_loop3A_262 = tpu.memref_slice %arg8[%parallel_loop3A_72, %parallel_loop3A_261] : memref<128x304xf32, #tpu.memory_space<vmem>> -> memref<1x304xf32, #tpu.memory_space<vmem>>
        %parallel_loop3A_263 = tpu.memref_squeeze %parallel_loop3A_262 : memref<1x304xf32, #tpu.memory_space<vmem>> -> memref<304xf32, #tpu.memory_space<vmem>>
        %parallel_loop3A_264 = arith.constant 224 : index
        %parallel_loop3A_265 = tpu.vector_load %parallel_loop3A_263[%parallel_loop3A_264] {strides = array<i32>} : memref<304xf32, #tpu.memory_space<vmem>>, vector<16xf32>,
        %parallel_loop3A_266 = vector.shape_cast %parallel_loop3A_265 : vector<16xf32> to vector<16xf32>
        %parallel_loop3A_267 = vector.shape_cast %parallel_loop3A_260 : vector<16xf32> to vector<16xf32>
        tpu.vector_store %parallel_loop3A_263[%parallel_loop3A_264], %parallel_loop3A_267 {add = true, strides = array<i32>} : memref<304xf32, #tpu.memory_space<vmem>>, vector<16xf32>,
        %parallel_loop3A_268 = arith.constant 0 : i32
        %parallel_loop3A_269 = tpu.memref_slice %arg9[%parallel_loop3A_70, %parallel_loop3A_268] : memref<64x256xf32, #tpu.memory_space<vmem>> -> memref<1x256xf32, #tpu.memory_space<vmem>>
        %parallel_loop3A_270 = tpu.memref_squeeze %parallel_loop3A_269 : memref<1x256xf32, #tpu.memory_space<vmem>> -> memref<256xf32, #tpu.memory_space<vmem>>
        %parallel_loop3A_271 = arith.constant 240 : index
        %parallel_loop3A_272 = tpu.vector_load %parallel_loop3A_270[%parallel_loop3A_271] {strides = array<i32>} : memref<256xf32, #tpu.memory_space<vmem>>, vector<16xf32>,
        %parallel_loop3A_273 = vector.shape_cast %parallel_loop3A_272 : vector<16xf32> to vector<16xf32>
        %parallel_loop3A_274 = arith.constant 0 : i32
        %parallel_loop3A_275 = tpu.memref_slice %arg8[%parallel_loop3A_72, %parallel_loop3A_274] : memref<128x304xf32, #tpu.memory_space<vmem>> -> memref<1x304xf32, #tpu.memory_space<vmem>>
        %parallel_loop3A_276 = tpu.memref_squeeze %parallel_loop3A_275 : memref<1x304xf32, #tpu.memory_space<vmem>> -> memref<304xf32, #tpu.memory_space<vmem>>
        %parallel_loop3A_277 = arith.constant 240 : index
        %parallel_loop3A_278 = tpu.vector_load %parallel_loop3A_276[%parallel_loop3A_277] {strides = array<i32>} : memref<304xf32, #tpu.memory_space<vmem>>, vector<16xf32>,
        %parallel_loop3A_279 = vector.shape_cast %parallel_loop3A_278 : vector<16xf32> to vector<16xf32>
        %parallel_loop3A_280 = vector.shape_cast %parallel_loop3A_273 : vector<16xf32> to vector<16xf32>
        tpu.vector_store %parallel_loop3A_276[%parallel_loop3A_277], %parallel_loop3A_280 {add = true, strides = array<i32>} : memref<304xf32, #tpu.memory_space<vmem>>, vector<16xf32>,
        %parallel_loop3A_281 = arith.constant 0 : i32
        %parallel_loop3A_282 = tpu.memref_slice %arg11[%parallel_loop3A_70, %parallel_loop3A_281] : memref<64x128xf32, #tpu.memory_space<vmem>> -> memref<1x128xf32, #tpu.memory_space<vmem>>
        %parallel_loop3A_283 = tpu.memref_squeeze %parallel_loop3A_282 : memref<1x128xf32, #tpu.memory_space<vmem>> -> memref<128xf32, #tpu.memory_space<vmem>>
        %parallel_loop3A_284 = arith.constant 0 : index
        %parallel_loop3A_285 = tpu.vector_load %parallel_loop3A_283[%parallel_loop3A_284] {strides = array<i32>} : memref<128xf32, #tpu.memory_space<vmem>>, vector<16xf32>,
        %parallel_loop3A_286 = vector.shape_cast %parallel_loop3A_285 : vector<16xf32> to vector<16xf32>
        %parallel_loop3A_287 = arith.constant 0 : i32
        %parallel_loop3A_288 = tpu.memref_slice %arg8[%parallel_loop3A_72, %parallel_loop3A_287] : memref<128x304xf32, #tpu.memory_space<vmem>> -> memref<1x304xf32, #tpu.memory_space<vmem>>
        %parallel_loop3A_289 = tpu.memref_squeeze %parallel_loop3A_288 : memref<1x304xf32, #tpu.memory_space<vmem>> -> memref<304xf32, #tpu.memory_space<vmem>>
        %parallel_loop3A_290 = arith.constant 256 : index
        %parallel_loop3A_291 = tpu.vector_load %parallel_loop3A_289[%parallel_loop3A_290] {strides = array<i32>} : memref<304xf32, #tpu.memory_space<vmem>>, vector<16xf32>,
        %parallel_loop3A_292 = vector.shape_cast %parallel_loop3A_291 : vector<16xf32> to vector<16xf32>
        %parallel_loop3A_293 = vector.shape_cast %parallel_loop3A_286 : vector<16xf32> to vector<16xf32>
        tpu.vector_store %parallel_loop3A_289[%parallel_loop3A_290], %parallel_loop3A_293 {add = true, strides = array<i32>} : memref<304xf32, #tpu.memory_space<vmem>>, vector<16xf32>,
        %parallel_loop3A_294 = arith.constant 0 : i32
        %parallel_loop3A_295 = tpu.memref_slice %arg11[%parallel_loop3A_70, %parallel_loop3A_294] : memref<64x128xf32, #tpu.memory_space<vmem>> -> memref<1x128xf32, #tpu.memory_space<vmem>>
        %parallel_loop3A_296 = tpu.memref_squeeze %parallel_loop3A_295 : memref<1x128xf32, #tpu.memory_space<vmem>> -> memref<128xf32, #tpu.memory_space<vmem>>
        %parallel_loop3A_297 = arith.constant 16 : index
        %parallel_loop3A_298 = tpu.vector_load %parallel_loop3A_296[%parallel_loop3A_297] {strides = array<i32>} : memref<128xf32, #tpu.memory_space<vmem>>, vector<16xf32>,
        %parallel_loop3A_299 = vector.shape_cast %parallel_loop3A_298 : vector<16xf32> to vector<16xf32>
        %parallel_loop3A_300 = arith.constant 0 : i32
        %parallel_loop3A_301 = tpu.memref_slice %arg8[%parallel_loop3A_72, %parallel_loop3A_300] : memref<128x304xf32, #tpu.memory_space<vmem>> -> memref<1x304xf32, #tpu.memory_space<vmem>>
        %parallel_loop3A_302 = tpu.memref_squeeze %parallel_loop3A_301 : memref<1x304xf32, #tpu.memory_space<vmem>> -> memref<304xf32, #tpu.memory_space<vmem>>
        %parallel_loop3A_303 = arith.constant 272 : index
        %parallel_loop3A_304 = tpu.vector_load %parallel_loop3A_302[%parallel_loop3A_303] {strides = array<i32>} : memref<304xf32, #tpu.memory_space<vmem>>, vector<16xf32>,
        %parallel_loop3A_305 = vector.shape_cast %parallel_loop3A_304 : vector<16xf32> to vector<16xf32>
        %parallel_loop3A_306 = vector.shape_cast %parallel_loop3A_299 : vector<16xf32> to vector<16xf32>
        tpu.vector_store %parallel_loop3A_302[%parallel_loop3A_303], %parallel_loop3A_306 {add = true, strides = array<i32>} : memref<304xf32, #tpu.memory_space<vmem>>, vector<16xf32>,
        %parallel_loop3A_307 = arith.constant 0 : i32
        %parallel_loop3A_308 = tpu.memref_slice %arg11[%parallel_loop3A_70, %parallel_loop3A_307] : memref<64x128xf32, #tpu.memory_space<vmem>> -> memref<1x128xf32, #tpu.memory_space<vmem>>
        %parallel_loop3A_309 = tpu.memref_squeeze %parallel_loop3A_308 : memref<1x128xf32, #tpu.memory_space<vmem>> -> memref<128xf32, #tpu.memory_space<vmem>>
        %parallel_loop3A_310 = arith.constant 32 : index
        %parallel_loop3A_311 = tpu.vector_load %parallel_loop3A_309[%parallel_loop3A_310] {strides = array<i32>} : memref<128xf32, #tpu.memory_space<vmem>>, vector<16xf32>,
        %parallel_loop3A_312 = vector.shape_cast %parallel_loop3A_311 : vector<16xf32> to vector<16xf32>
        %parallel_loop3A_313 = arith.constant 0 : i32
        %parallel_loop3A_314 = tpu.memref_slice %arg8[%parallel_loop3A_72, %parallel_loop3A_313] : memref<128x304xf32, #tpu.memory_space<vmem>> -> memref<1x304xf32, #tpu.memory_space<vmem>>
        %parallel_loop3A_315 = tpu.memref_squeeze %parallel_loop3A_314 : memref<1x304xf32, #tpu.memory_space<vmem>> -> memref<304xf32, #tpu.memory_space<vmem>>
        %parallel_loop3A_316 = arith.constant 288 : index
        %parallel_loop3A_317 = tpu.vector_load %parallel_loop3A_315[%parallel_loop3A_316] {strides = array<i32>} : memref<304xf32, #tpu.memory_space<vmem>>, vector<16xf32>,
        %parallel_loop3A_318 = vector.shape_cast %parallel_loop3A_317 : vector<16xf32> to vector<16xf32>
        %parallel_loop3A_319 = vector.shape_cast %parallel_loop3A_312 : vector<16xf32> to vector<16xf32>
        tpu.vector_store %parallel_loop3A_315[%parallel_loop3A_316], %parallel_loop3A_319 {add = true, strides = array<i32>} : memref<304xf32, #tpu.memory_space<vmem>>, vector<16xf32>,
      } {sc.loop_unroll_factor = 8 : i64, sc.parallel_access}
      %lt3A = arith.constant 49 : i32
      %lt3A_51 = arith.cmpi slt, %scan3A_23, %lt3A : i32
      %convert_element_type3A = arith.extui %lt3A_51 : i1 to i32
      %cond3A = arith.constant 0 : i32
      %cond3A_52 = arith.cmpi ne, %convert_element_type3A, %cond3A : i32
      scf.if %cond3A_52 {
        %add3A_70 = arith.constant 1 : i32
        %add3A_71 = arith.addi %scan3A_23, %add3A_70 : i32
        %dma_start3A_72 = arith.constant 0 : i32
        %dma_start3A_73 = tpu.memref_slice %arg7[%add3A_71, %dma_start3A_72] : memref<50x128xi32, #tpu.memory_space<vmem>> -> memref<1x64xi32, #tpu.memory_space<vmem>>
        %dma_start3A_74 = tpu.memref_squeeze %dma_start3A_73 : memref<1x64xi32, #tpu.memory_space<vmem>> -> memref<64xi32, #tpu.memory_space<vmem>>
        %dma_start3A_75 = arith.constant 0 : i32
        %dma_start3A_76 = arith.constant 0 : i32
        %dma_start3A_77 = tpu.memref_slice %arg3[%dma_start3A_75, %dma_start3A_76] : memref<100000x300xf32, #tpu.memory_space<hbm>> -> memref<100000x256xf32, #tpu.memory_space<hbm>>
        tpu.enqueue_indirect_dma source(%dma_start3A_77 : memref<100000x256xf32, #tpu.memory_space<hbm>>) target(%arg9 : memref<64x256xf32, #tpu.memory_space<vmem>>) offsets(%dma_start3A_74 : memref<64xi32, #tpu.memory_space<vmem>>) semaphore(%arg13 : memref<!tpu.dma_semaphore, #tpu.memory_space<semaphore_mem>>)
        %dma_start3A_78 = arith.constant 0 : i32
        %dma_start3A_79 = tpu.memref_slice %arg7[%add3A_71, %dma_start3A_78] : memref<50x128xi32, #tpu.memory_space<vmem>> -> memref<1x64xi32, #tpu.memory_space<vmem>>
        %dma_start3A_80 = tpu.memref_squeeze %dma_start3A_79 : memref<1x64xi32, #tpu.memory_space<vmem>> -> memref<64xi32, #tpu.memory_space<vmem>>
        %dma_start3A_81 = arith.constant 0 : i32
        %dma_start3A_82 = arith.constant 0 : i32
        %dma_start3A_83 = tpu.memref_slice %arg4[%dma_start3A_81, %dma_start3A_82] : memref<100000x128xf32, #tpu.memory_space<hbm>> -> memref<100000x128xf32, #tpu.memory_space<hbm>>
        tpu.enqueue_indirect_dma source(%dma_start3A_83 : memref<100000x128xf32, #tpu.memory_space<hbm>>) target(%arg11 : memref<64x128xf32, #tpu.memory_space<vmem>>) offsets(%dma_start3A_80 : memref<64xi32, #tpu.memory_space<vmem>>) semaphore(%arg13 : memref<!tpu.dma_semaphore, #tpu.memory_space<semaphore_mem>>)
      } else {
      }
      %dma_wait3A_53 = arith.constant 0 : i32
      %dma_wait3A_54 = arith.constant 0 : i32
      %dma_wait3A_55 = tpu.memref_slice %arg7[%dma_wait3A_53, %dma_wait3A_54] : memref<50x128xi32, #tpu.memory_space<vmem>> -> memref<1x64xi32, #tpu.memory_space<vmem>>
      %dma_wait3A_56 = tpu.memref_squeeze %dma_wait3A_55 : memref<1x64xi32, #tpu.memory_space<vmem>> -> memref<64xi32, #tpu.memory_space<vmem>>
      %dma_wait3A_57 = arith.constant 0 : i32
      %dma_wait3A_58 = arith.constant 0 : i32
      %dma_wait3A_59 = tpu.memref_slice %arg3[%dma_wait3A_57, %dma_wait3A_58] : memref<100000x300xf32, #tpu.memory_space<hbm>> -> memref<100000x256xf32, #tpu.memory_space<hbm>>
      tpu.wait_indirect_dma semaphore(%arg14 : memref<!tpu.dma_semaphore, #tpu.memory_space<semaphore_mem>>) src(%dma_wait3A_59 : memref<100000x256xf32, #tpu.memory_space<hbm>>) dst(%arg10 : memref<64x256xf32, #tpu.memory_space<vmem>>)
      %dma_wait3A_60 = arith.constant 0 : i32
      %dma_wait3A_61 = arith.constant 0 : i32
      %dma_wait3A_62 = tpu.memref_slice %arg7[%dma_wait3A_60, %dma_wait3A_61] : memref<50x128xi32, #tpu.memory_space<vmem>> -> memref<1x64xi32, #tpu.memory_space<vmem>>
      %dma_wait3A_63 = tpu.memref_squeeze %dma_wait3A_62 : memref<1x64xi32, #tpu.memory_space<vmem>> -> memref<64xi32, #tpu.memory_space<vmem>>
      %dma_wait3A_64 = arith.constant 0 : i32
      %dma_wait3A_65 = arith.constant 0 : i32
      %dma_wait3A_66 = tpu.memref_slice %arg4[%dma_wait3A_64, %dma_wait3A_65] : memref<100000x128xf32, #tpu.memory_space<hbm>> -> memref<100000x128xf32, #tpu.memory_space<hbm>>
      tpu.wait_indirect_dma semaphore(%arg14 : memref<!tpu.dma_semaphore, #tpu.memory_space<semaphore_mem>>) src(%dma_wait3A_66 : memref<100000x128xf32, #tpu.memory_space<hbm>>) dst(%arg12 : memref<64x128xf32, #tpu.memory_space<vmem>>)
      %parallel_loop3A_67 = arith.constant 0 : i32
      %parallel_loop3A_68 = arith.constant 64 : i32
      %parallel_loop3A_69 = arith.constant 1 : i32
      scf.for %parallel_loop3A_70 = %parallel_loop3A_67 to %parallel_loop3A_68 step %parallel_loop3A_69  : i32 {
        %parallel_loop3A_71 = arith.constant 64 : i32
        %parallel_loop3A_72 = arith.addi %parallel_loop3A_71, %parallel_loop3A_70 : i32
        %parallel_loop3A_73 = arith.constant 0 : i32
        %parallel_loop3A_74 = tpu.memref_slice %arg10[%parallel_loop3A_70, %parallel_loop3A_73] : memref<64x256xf32, #tpu.memory_space<vmem>> -> memref<1x256xf32, #tpu.memory_space<vmem>>
        %parallel_loop3A_75 = tpu.memref_squeeze %parallel_loop3A_74 : memref<1x256xf32, #tpu.memory_space<vmem>> -> memref<256xf32, #tpu.memory_space<vmem>>
        %parallel_loop3A_76 = arith.constant 0 : index
        %parallel_loop3A_77 = tpu.vector_load %parallel_loop3A_75[%parallel_loop3A_76] {strides = array<i32>} : memref<256xf32, #tpu.memory_space<vmem>>, vector<16xf32>,
        %parallel_loop3A_78 = vector.shape_cast %parallel_loop3A_77 : vector<16xf32> to vector<16xf32>
        %parallel_loop3A_79 = arith.constant 0 : i32
        %parallel_loop3A_80 = tpu.memref_slice %arg8[%parallel_loop3A_72, %parallel_loop3A_79] : memref<128x304xf32, #tpu.memory_space<vmem>> -> memref<1x304xf32, #tpu.memory_space<vmem>>
        %parallel_loop3A_81 = tpu.memref_squeeze %parallel_loop3A_80 : memref<1x304xf32, #tpu.memory_space<vmem>> -> memref<304xf32, #tpu.memory_space<vmem>>
        %parallel_loop3A_82 = arith.constant 0 : index
        %parallel_loop3A_83 = tpu.vector_load %parallel_loop3A_81[%parallel_loop3A_82] {strides = array<i32>} : memref<304xf32, #tpu.memory_space<vmem>>, vector<16xf32>,
        %parallel_loop3A_84 = vector.shape_cast %parallel_loop3A_83 : vector<16xf32> to vector<16xf32>
        %parallel_loop3A_85 = vector.shape_cast %parallel_loop3A_78 : vector<16xf32> to vector<16xf32>
        tpu.vector_store %parallel_loop3A_81[%parallel_loop3A_82], %parallel_loop3A_85 {add = true, strides = array<i32>} : memref<304xf32, #tpu.memory_space<vmem>>, vector<16xf32>,
        %parallel_loop3A_86 = arith.constant 0 : i32
        %parallel_loop3A_87 = tpu.memref_slice %arg10[%parallel_loop3A_70, %parallel_loop3A_86] : memref<64x256xf32, #tpu.memory_space<vmem>> -> memref<1x256xf32, #tpu.memory_space<vmem>>
        %parallel_loop3A_88 = tpu.memref_squeeze %parallel_loop3A_87 : memref<1x256xf32, #tpu.memory_space<vmem>> -> memref<256xf32, #tpu.memory_space<vmem>>
        %parallel_loop3A_89 = arith.constant 16 : index
        %parallel_loop3A_90 = tpu.vector_load %parallel_loop3A_88[%parallel_loop3A_89] {strides = array<i32>} : memref<256xf32, #tpu.memory_space<vmem>>, vector<16xf32>,
        %parallel_loop3A_91 = vector.shape_cast %parallel_loop3A_90 : vector<16xf32> to vector<16xf32>
        %parallel_loop3A_92 = arith.constant 0 : i32
        %parallel_loop3A_93 = tpu.memref_slice %arg8[%parallel_loop3A_72, %parallel_loop3A_92] : memref<128x304xf32, #tpu.memory_space<vmem>> -> memref<1x304xf32, #tpu.memory_space<vmem>>
        %parallel_loop3A_94 = tpu.memref_squeeze %parallel_loop3A_93 : memref<1x304xf32, #tpu.memory_space<vmem>> -> memref<304xf32, #tpu.memory_space<vmem>>
        %parallel_loop3A_95 = arith.constant 16 : index
        %parallel_loop3A_96 = tpu.vector_load %parallel_loop3A_94[%parallel_loop3A_95] {strides = array<i32>} : memref<304xf32, #tpu.memory_space<vmem>>, vector<16xf32>,
        %parallel_loop3A_97 = vector.shape_cast %parallel_loop3A_96 : vector<16xf32> to vector<16xf32>
        %parallel_loop3A_98 = vector.shape_cast %parallel_loop3A_91 : vector<16xf32> to vector<16xf32>
        tpu.vector_store %parallel_loop3A_94[%parallel_loop3A_95], %parallel_loop3A_98 {add = true, strides = array<i32>} : memref<304xf32, #tpu.memory_space<vmem>>, vector<16xf32>,
        %parallel_loop3A_99 = arith.constant 0 : i32
        %parallel_loop3A_100 = tpu.memref_slice %arg10[%parallel_loop3A_70, %parallel_loop3A_99] : memref<64x256xf32, #tpu.memory_space<vmem>> -> memref<1x256xf32, #tpu.memory_space<vmem>>
        %parallel_loop3A_101 = tpu.memref_squeeze %parallel_loop3A_100 : memref<1x256xf32, #tpu.memory_space<vmem>> -> memref<256xf32, #tpu.memory_space<vmem>>
        %parallel_loop3A_102 = arith.constant 32 : index
        %parallel_loop3A_103 = tpu.vector_load %parallel_loop3A_101[%parallel_loop3A_102] {strides = array<i32>} : memref<256xf32, #tpu.memory_space<vmem>>, vector<16xf32>,
        %parallel_loop3A_104 = vector.shape_cast %parallel_loop3A_103 : vector<16xf32> to vector<16xf32>
        %parallel_loop3A_105 = arith.constant 0 : i32
        %parallel_loop3A_106 = tpu.memref_slice %arg8[%parallel_loop3A_72, %parallel_loop3A_105] : memref<128x304xf32, #tpu.memory_space<vmem>> -> memref<1x304xf32, #tpu.memory_space<vmem>>
        %parallel_loop3A_107 = tpu.memref_squeeze %parallel_loop3A_106 : memref<1x304xf32, #tpu.memory_space<vmem>> -> memref<304xf32, #tpu.memory_space<vmem>>
        %parallel_loop3A_108 = arith.constant 32 : index
        %parallel_loop3A_109 = tpu.vector_load %parallel_loop3A_107[%parallel_loop3A_108] {strides = array<i32>} : memref<304xf32, #tpu.memory_space<vmem>>, vector<16xf32>,
        %parallel_loop3A_110 = vector.shape_cast %parallel_loop3A_109 : vector<16xf32> to vector<16xf32>
        %parallel_loop3A_111 = vector.shape_cast %parallel_loop3A_104 : vector<16xf32> to vector<16xf32>
        tpu.vector_store %parallel_loop3A_107[%parallel_loop3A_108], %parallel_loop3A_111 {add = true, strides = array<i32>} : memref<304xf32, #tpu.memory_space<vmem>>, vector<16xf32>,
        %parallel_loop3A_112 = arith.constant 0 : i32
        %parallel_loop3A_113 = tpu.memref_slice %arg10[%parallel_loop3A_70, %parallel_loop3A_112] : memref<64x256xf32, #tpu.memory_space<vmem>> -> memref<1x256xf32, #tpu.memory_space<vmem>>
        %parallel_loop3A_114 = tpu.memref_squeeze %parallel_loop3A_113 : memref<1x256xf32, #tpu.memory_space<vmem>> -> memref<256xf32, #tpu.memory_space<vmem>>
        %parallel_loop3A_115 = arith.constant 48 : index
        %parallel_loop3A_116 = tpu.vector_load %parallel_loop3A_114[%parallel_loop3A_115] {strides = array<i32>} : memref<256xf32, #tpu.memory_space<vmem>>, vector<16xf32>,
        %parallel_loop3A_117 = vector.shape_cast %parallel_loop3A_116 : vector<16xf32> to vector<16xf32>
        %parallel_loop3A_118 = arith.constant 0 : i32
        %parallel_loop3A_119 = tpu.memref_slice %arg8[%parallel_loop3A_72, %parallel_loop3A_118] : memref<128x304xf32, #tpu.memory_space<vmem>> -> memref<1x304xf32, #tpu.memory_space<vmem>>
        %parallel_loop3A_120 = tpu.memref_squeeze %parallel_loop3A_119 : memref<1x304xf32, #tpu.memory_space<vmem>> -> memref<304xf32, #tpu.memory_space<vmem>>
        %parallel_loop3A_121 = arith.constant 48 : index
        %parallel_loop3A_122 = tpu.vector_load %parallel_loop3A_120[%parallel_loop3A_121] {strides = array<i32>} : memref<304xf32, #tpu.memory_space<vmem>>, vector<16xf32>,
        %parallel_loop3A_123 = vector.shape_cast %parallel_loop3A_122 : vector<16xf32> to vector<16xf32>
        %parallel_loop3A_124 = vector.shape_cast %parallel_loop3A_117 : vector<16xf32> to vector<16xf32>
        tpu.vector_store %parallel_loop3A_120[%parallel_loop3A_121], %parallel_loop3A_124 {add = true, strides = array<i32>} : memref<304xf32, #tpu.memory_space<vmem>>, vector<16xf32>,
        %parallel_loop3A_125 = arith.constant 0 : i32
        %parallel_loop3A_126 = tpu.memref_slice %arg10[%parallel_loop3A_70, %parallel_loop3A_125] : memref<64x256xf32, #tpu.memory_space<vmem>> -> memref<1x256xf32, #tpu.memory_space<vmem>>
        %parallel_loop3A_127 = tpu.memref_squeeze %parallel_loop3A_126 : memref<1x256xf32, #tpu.memory_space<vmem>> -> memref<256xf32, #tpu.memory_space<vmem>>
        %parallel_loop3A_128 = arith.constant 64 : index
        %parallel_loop3A_129 = tpu.vector_load %parallel_loop3A_127[%parallel_loop3A_128] {strides = array<i32>} : memref<256xf32, #tpu.memory_space<vmem>>, vector<16xf32>,
        %parallel_loop3A_130 = vector.shape_cast %parallel_loop3A_129 : vector<16xf32> to vector<16xf32>
        %parallel_loop3A_131 = arith.constant 0 : i32
        %parallel_loop3A_132 = tpu.memref_slice %arg8[%parallel_loop3A_72, %parallel_loop3A_131] : memref<128x304xf32, #tpu.memory_space<vmem>> -> memref<1x304xf32, #tpu.memory_space<vmem>>
        %parallel_loop3A_133 = tpu.memref_squeeze %parallel_loop3A_132 : memref<1x304xf32, #tpu.memory_space<vmem>> -> memref<304xf32, #tpu.memory_space<vmem>>
        %parallel_loop3A_134 = arith.constant 64 : index
        %parallel_loop3A_135 = tpu.vector_load %parallel_loop3A_133[%parallel_loop3A_134] {strides = array<i32>} : memref<304xf32, #tpu.memory_space<vmem>>, vector<16xf32>,
        %parallel_loop3A_136 = vector.shape_cast %parallel_loop3A_135 : vector<16xf32> to vector<16xf32>
        %parallel_loop3A_137 = vector.shape_cast %parallel_loop3A_130 : vector<16xf32> to vector<16xf32>
        tpu.vector_store %parallel_loop3A_133[%parallel_loop3A_134], %parallel_loop3A_137 {add = true, strides = array<i32>} : memref<304xf32, #tpu.memory_space<vmem>>, vector<16xf32>,
        %parallel_loop3A_138 = arith.constant 0 : i32
        %parallel_loop3A_139 = tpu.memref_slice %arg10[%parallel_loop3A_70, %parallel_loop3A_138] : memref<64x256xf32, #tpu.memory_space<vmem>> -> memref<1x256xf32, #tpu.memory_space<vmem>>
        %parallel_loop3A_140 = tpu.memref_squeeze %parallel_loop3A_139 : memref<1x256xf32, #tpu.memory_space<vmem>> -> memref<256xf32, #tpu.memory_space<vmem>>
        %parallel_loop3A_141 = arith.constant 80 : index
        %parallel_loop3A_142 = tpu.vector_load %parallel_loop3A_140[%parallel_loop3A_141] {strides = array<i32>} : memref<256xf32, #tpu.memory_space<vmem>>, vector<16xf32>,
        %parallel_loop3A_143 = vector.shape_cast %parallel_loop3A_142 : vector<16xf32> to vector<16xf32>
        %parallel_loop3A_144 = arith.constant 0 : i32
        %parallel_loop3A_145 = tpu.memref_slice %arg8[%parallel_loop3A_72, %parallel_loop3A_144] : memref<128x304xf32, #tpu.memory_space<vmem>> -> memref<1x304xf32, #tpu.memory_space<vmem>>
        %parallel_loop3A_146 = tpu.memref_squeeze %parallel_loop3A_145 : memref<1x304xf32, #tpu.memory_space<vmem>> -> memref<304xf32, #tpu.memory_space<vmem>>
        %parallel_loop3A_147 = arith.constant 80 : index
        %parallel_loop3A_148 = tpu.vector_load %parallel_loop3A_146[%parallel_loop3A_147] {strides = array<i32>} : memref<304xf32, #tpu.memory_space<vmem>>, vector<16xf32>,
        %parallel_loop3A_149 = vector.shape_cast %parallel_loop3A_148 : vector<16xf32> to vector<16xf32>
        %parallel_loop3A_150 = vector.shape_cast %parallel_loop3A_143 : vector<16xf32> to vector<16xf32>
        tpu.vector_store %parallel_loop3A_146[%parallel_loop3A_147], %parallel_loop3A_150 {add = true, strides = array<i32>} : memref<304xf32, #tpu.memory_space<vmem>>, vector<16xf32>,
        %parallel_loop3A_151 = arith.constant 0 : i32
        %parallel_loop3A_152 = tpu.memref_slice %arg10[%parallel_loop3A_70, %parallel_loop3A_151] : memref<64x256xf32, #tpu.memory_space<vmem>> -> memref<1x256xf32, #tpu.memory_space<vmem>>
        %parallel_loop3A_153 = tpu.memref_squeeze %parallel_loop3A_152 : memref<1x256xf32, #tpu.memory_space<vmem>> -> memref<256xf32, #tpu.memory_space<vmem>>
        %parallel_loop3A_154 = arith.constant 96 : index
        %parallel_loop3A_155 = tpu.vector_load %parallel_loop3A_153[%parallel_loop3A_154] {strides = array<i32>} : memref<256xf32, #tpu.memory_space<vmem>>, vector<16xf32>,
        %parallel_loop3A_156 = vector.shape_cast %parallel_loop3A_155 : vector<16xf32> to vector<16xf32>
        %parallel_loop3A_157 = arith.constant 0 : i32
        %parallel_loop3A_158 = tpu.memref_slice %arg8[%parallel_loop3A_72, %parallel_loop3A_157] : memref<128x304xf32, #tpu.memory_space<vmem>> -> memref<1x304xf32, #tpu.memory_space<vmem>>
        %parallel_loop3A_159 = tpu.memref_squeeze %parallel_loop3A_158 : memref<1x304xf32, #tpu.memory_space<vmem>> -> memref<304xf32, #tpu.memory_space<vmem>>
        %parallel_loop3A_160 = arith.constant 96 : index
        %parallel_loop3A_161 = tpu.vector_load %parallel_loop3A_159[%parallel_loop3A_160] {strides = array<i32>} : memref<304xf32, #tpu.memory_space<vmem>>, vector<16xf32>,
        %parallel_loop3A_162 = vector.shape_cast %parallel_loop3A_161 : vector<16xf32> to vector<16xf32>
        %parallel_loop3A_163 = vector.shape_cast %parallel_loop3A_156 : vector<16xf32> to vector<16xf32>
        tpu.vector_store %parallel_loop3A_159[%parallel_loop3A_160], %parallel_loop3A_163 {add = true, strides = array<i32>} : memref<304xf32, #tpu.memory_space<vmem>>, vector<16xf32>,
        %parallel_loop3A_164 = arith.constant 0 : i32
        %parallel_loop3A_165 = tpu.memref_slice %arg10[%parallel_loop3A_70, %parallel_loop3A_164] : memref<64x256xf32, #tpu.memory_space<vmem>> -> memref<1x256xf32, #tpu.memory_space<vmem>>
        %parallel_loop3A_166 = tpu.memref_squeeze %parallel_loop3A_165 : memref<1x256xf32, #tpu.memory_space<vmem>> -> memref<256xf32, #tpu.memory_space<vmem>>
        %parallel_loop3A_167 = arith.constant 112 : index
        %parallel_loop3A_168 = tpu.vector_load %parallel_loop3A_166[%parallel_loop3A_167] {strides = array<i32>} : memref<256xf32, #tpu.memory_space<vmem>>, vector<16xf32>,
        %parallel_loop3A_169 = vector.shape_cast %parallel_loop3A_168 : vector<16xf32> to vector<16xf32>
        %parallel_loop3A_170 = arith.constant 0 : i32
        %parallel_loop3A_171 = tpu.memref_slice %arg8[%parallel_loop3A_72, %parallel_loop3A_170] : memref<128x304xf32, #tpu.memory_space<vmem>> -> memref<1x304xf32, #tpu.memory_space<vmem>>
        %parallel_loop3A_172 = tpu.memref_squeeze %parallel_loop3A_171 : memref<1x304xf32, #tpu.memory_space<vmem>> -> memref<304xf32, #tpu.memory_space<vmem>>
        %parallel_loop3A_173 = arith.constant 112 : index
        %parallel_loop3A_174 = tpu.vector_load %parallel_loop3A_172[%parallel_loop3A_173] {strides = array<i32>} : memref<304xf32, #tpu.memory_space<vmem>>, vector<16xf32>,
        %parallel_loop3A_175 = vector.shape_cast %parallel_loop3A_174 : vector<16xf32> to vector<16xf32>
        %parallel_loop3A_176 = vector.shape_cast %parallel_loop3A_169 : vector<16xf32> to vector<16xf32>
        tpu.vector_store %parallel_loop3A_172[%parallel_loop3A_173], %parallel_loop3A_176 {add = true, strides = array<i32>} : memref<304xf32, #tpu.memory_space<vmem>>, vector<16xf32>,
        %parallel_loop3A_177 = arith.constant 0 : i32
        %parallel_loop3A_178 = tpu.memref_slice %arg10[%parallel_loop3A_70, %parallel_loop3A_177] : memref<64x256xf32, #tpu.memory_space<vmem>> -> memref<1x256xf32, #tpu.memory_space<vmem>>
        %parallel_loop3A_179 = tpu.memref_squeeze %parallel_loop3A_178 : memref<1x256xf32, #tpu.memory_space<vmem>> -> memref<256xf32, #tpu.memory_space<vmem>>
        %parallel_loop3A_180 = arith.constant 128 : index
        %parallel_loop3A_181 = tpu.vector_load %parallel_loop3A_179[%parallel_loop3A_180] {strides = array<i32>} : memref<256xf32, #tpu.memory_space<vmem>>, vector<16xf32>,
        %parallel_loop3A_182 = vector.shape_cast %parallel_loop3A_181 : vector<16xf32> to vector<16xf32>
        %parallel_loop3A_183 = arith.constant 0 : i32
        %parallel_loop3A_184 = tpu.memref_slice %arg8[%parallel_loop3A_72, %parallel_loop3A_183] : memref<128x304xf32, #tpu.memory_space<vmem>> -> memref<1x304xf32, #tpu.memory_space<vmem>>
        %parallel_loop3A_185 = tpu.memref_squeeze %parallel_loop3A_184 : memref<1x304xf32, #tpu.memory_space<vmem>> -> memref<304xf32, #tpu.memory_space<vmem>>
        %parallel_loop3A_186 = arith.constant 128 : index
        %parallel_loop3A_187 = tpu.vector_load %parallel_loop3A_185[%parallel_loop3A_186] {strides = array<i32>} : memref<304xf32, #tpu.memory_space<vmem>>, vector<16xf32>,
        %parallel_loop3A_188 = vector.shape_cast %parallel_loop3A_187 : vector<16xf32> to vector<16xf32>
        %parallel_loop3A_189 = vector.shape_cast %parallel_loop3A_182 : vector<16xf32> to vector<16xf32>
        tpu.vector_store %parallel_loop3A_185[%parallel_loop3A_186], %parallel_loop3A_189 {add = true, strides = array<i32>} : memref<304xf32, #tpu.memory_space<vmem>>, vector<16xf32>,
        %parallel_loop3A_190 = arith.constant 0 : i32
        %parallel_loop3A_191 = tpu.memref_slice %arg10[%parallel_loop3A_70, %parallel_loop3A_190] : memref<64x256xf32, #tpu.memory_space<vmem>> -> memref<1x256xf32, #tpu.memory_space<vmem>>
        %parallel_loop3A_192 = tpu.memref_squeeze %parallel_loop3A_191 : memref<1x256xf32, #tpu.memory_space<vmem>> -> memref<256xf32, #tpu.memory_space<vmem>>
        %parallel_loop3A_193 = arith.constant 144 : index
        %parallel_loop3A_194 = tpu.vector_load %parallel_loop3A_192[%parallel_loop3A_193] {strides = array<i32>} : memref<256xf32, #tpu.memory_space<vmem>>, vector<16xf32>,
        %parallel_loop3A_195 = vector.shape_cast %parallel_loop3A_194 : vector<16xf32> to vector<16xf32>
        %parallel_loop3A_196 = arith.constant 0 : i32
        %parallel_loop3A_197 = tpu.memref_slice %arg8[%parallel_loop3A_72, %parallel_loop3A_196] : memref<128x304xf32, #tpu.memory_space<vmem>> -> memref<1x304xf32, #tpu.memory_space<vmem>>
        %parallel_loop3A_198 = tpu.memref_squeeze %parallel_loop3A_197 : memref<1x304xf32, #tpu.memory_space<vmem>> -> memref<304xf32, #tpu.memory_space<vmem>>
        %parallel_loop3A_199 = arith.constant 144 : index
        %parallel_loop3A_200 = tpu.vector_load %parallel_loop3A_198[%parallel_loop3A_199] {strides = array<i32>} : memref<304xf32, #tpu.memory_space<vmem>>, vector<16xf32>,
        %parallel_loop3A_201 = vector.shape_cast %parallel_loop3A_200 : vector<16xf32> to vector<16xf32>
        %parallel_loop3A_202 = vector.shape_cast %parallel_loop3A_195 : vector<16xf32> to vector<16xf32>
        tpu.vector_store %parallel_loop3A_198[%parallel_loop3A_199], %parallel_loop3A_202 {add = true, strides = array<i32>} : memref<304xf32, #tpu.memory_space<vmem>>, vector<16xf32>,
        %parallel_loop3A_203 = arith.constant 0 : i32
        %parallel_loop3A_204 = tpu.memref_slice %arg10[%parallel_loop3A_70, %parallel_loop3A_203] : memref<64x256xf32, #tpu.memory_space<vmem>> -> memref<1x256xf32, #tpu.memory_space<vmem>>
        %parallel_loop3A_205 = tpu.memref_squeeze %parallel_loop3A_204 : memref<1x256xf32, #tpu.memory_space<vmem>> -> memref<256xf32, #tpu.memory_space<vmem>>
        %parallel_loop3A_206 = arith.constant 160 : index
        %parallel_loop3A_207 = tpu.vector_load %parallel_loop3A_205[%parallel_loop3A_206] {strides = array<i32>} : memref<256xf32, #tpu.memory_space<vmem>>, vector<16xf32>,
        %parallel_loop3A_208 = vector.shape_cast %parallel_loop3A_207 : vector<16xf32> to vector<16xf32>
        %parallel_loop3A_209 = arith.constant 0 : i32
        %parallel_loop3A_210 = tpu.memref_slice %arg8[%parallel_loop3A_72, %parallel_loop3A_209] : memref<128x304xf32, #tpu.memory_space<vmem>> -> memref<1x304xf32, #tpu.memory_space<vmem>>
        %parallel_loop3A_211 = tpu.memref_squeeze %parallel_loop3A_210 : memref<1x304xf32, #tpu.memory_space<vmem>> -> memref<304xf32, #tpu.memory_space<vmem>>
        %parallel_loop3A_212 = arith.constant 160 : index
        %parallel_loop3A_213 = tpu.vector_load %parallel_loop3A_211[%parallel_loop3A_212] {strides = array<i32>} : memref<304xf32, #tpu.memory_space<vmem>>, vector<16xf32>,
        %parallel_loop3A_214 = vector.shape_cast %parallel_loop3A_213 : vector<16xf32> to vector<16xf32>
        %parallel_loop3A_215 = vector.shape_cast %parallel_loop3A_208 : vector<16xf32> to vector<16xf32>
        tpu.vector_store %parallel_loop3A_211[%parallel_loop3A_212], %parallel_loop3A_215 {add = true, strides = array<i32>} : memref<304xf32, #tpu.memory_space<vmem>>, vector<16xf32>,
        %parallel_loop3A_216 = arith.constant 0 : i32
        %parallel_loop3A_217 = tpu.memref_slice %arg10[%parallel_loop3A_70, %parallel_loop3A_216] : memref<64x256xf32, #tpu.memory_space<vmem>> -> memref<1x256xf32, #tpu.memory_space<vmem>>
        %parallel_loop3A_218 = tpu.memref_squeeze %parallel_loop3A_217 : memref<1x256xf32, #tpu.memory_space<vmem>> -> memref<256xf32, #tpu.memory_space<vmem>>
        %parallel_loop3A_219 = arith.constant 176 : index
        %parallel_loop3A_220 = tpu.vector_load %parallel_loop3A_218[%parallel_loop3A_219] {strides = array<i32>} : memref<256xf32, #tpu.memory_space<vmem>>, vector<16xf32>,
        %parallel_loop3A_221 = vector.shape_cast %parallel_loop3A_220 : vector<16xf32> to vector<16xf32>
        %parallel_loop3A_222 = arith.constant 0 : i32
        %parallel_loop3A_223 = tpu.memref_slice %arg8[%parallel_loop3A_72, %parallel_loop3A_222] : memref<128x304xf32, #tpu.memory_space<vmem>> -> memref<1x304xf32, #tpu.memory_space<vmem>>
        %parallel_loop3A_224 = tpu.memref_squeeze %parallel_loop3A_223 : memref<1x304xf32, #tpu.memory_space<vmem>> -> memref<304xf32, #tpu.memory_space<vmem>>
        %parallel_loop3A_225 = arith.constant 176 : index
        %parallel_loop3A_226 = tpu.vector_load %parallel_loop3A_224[%parallel_loop3A_225] {strides = array<i32>} : memref<304xf32, #tpu.memory_space<vmem>>, vector<16xf32>,
        %parallel_loop3A_227 = vector.shape_cast %parallel_loop3A_226 : vector<16xf32> to vector<16xf32>
        %parallel_loop3A_228 = vector.shape_cast %parallel_loop3A_221 : vector<16xf32> to vector<16xf32>
        tpu.vector_store %parallel_loop3A_224[%parallel_loop3A_225], %parallel_loop3A_228 {add = true, strides = array<i32>} : memref<304xf32, #tpu.memory_space<vmem>>, vector<16xf32>,
        %parallel_loop3A_229 = arith.constant 0 : i32
        %parallel_loop3A_230 = tpu.memref_slice %arg10[%parallel_loop3A_70, %parallel_loop3A_229] : memref<64x256xf32, #tpu.memory_space<vmem>> -> memref<1x256xf32, #tpu.memory_space<vmem>>
        %parallel_loop3A_231 = tpu.memref_squeeze %parallel_loop3A_230 : memref<1x256xf32, #tpu.memory_space<vmem>> -> memref<256xf32, #tpu.memory_space<vmem>>
        %parallel_loop3A_232 = arith.constant 192 : index
        %parallel_loop3A_233 = tpu.vector_load %parallel_loop3A_231[%parallel_loop3A_232] {strides = array<i32>} : memref<256xf32, #tpu.memory_space<vmem>>, vector<16xf32>,
        %parallel_loop3A_234 = vector.shape_cast %parallel_loop3A_233 : vector<16xf32> to vector<16xf32>
        %parallel_loop3A_235 = arith.constant 0 : i32
        %parallel_loop3A_236 = tpu.memref_slice %arg8[%parallel_loop3A_72, %parallel_loop3A_235] : memref<128x304xf32, #tpu.memory_space<vmem>> -> memref<1x304xf32, #tpu.memory_space<vmem>>
        %parallel_loop3A_237 = tpu.memref_squeeze %parallel_loop3A_236 : memref<1x304xf32, #tpu.memory_space<vmem>> -> memref<304xf32, #tpu.memory_space<vmem>>
        %parallel_loop3A_238 = arith.constant 192 : index
        %parallel_loop3A_239 = tpu.vector_load %parallel_loop3A_237[%parallel_loop3A_238] {strides = array<i32>} : memref<304xf32, #tpu.memory_space<vmem>>, vector<16xf32>,
        %parallel_loop3A_240 = vector.shape_cast %parallel_loop3A_239 : vector<16xf32> to vector<16xf32>
        %parallel_loop3A_241 = vector.shape_cast %parallel_loop3A_234 : vector<16xf32> to vector<16xf32>
        tpu.vector_store %parallel_loop3A_237[%parallel_loop3A_238], %parallel_loop3A_241 {add = true, strides = array<i32>} : memref<304xf32, #tpu.memory_space<vmem>>, vector<16xf32>,
        %parallel_loop3A_242 = arith.constant 0 : i32
        %parallel_loop3A_243 = tpu.memref_slice %arg10[%parallel_loop3A_70, %parallel_loop3A_242] : memref<64x256xf32, #tpu.memory_space<vmem>> -> memref<1x256xf32, #tpu.memory_space<vmem>>
        %parallel_loop3A_244 = tpu.memref_squeeze %parallel_loop3A_243 : memref<1x256xf32, #tpu.memory_space<vmem>> -> memref<256xf32, #tpu.memory_space<vmem>>
        %parallel_loop3A_245 = arith.constant 208 : index
        %parallel_loop3A_246 = tpu.vector_load %parallel_loop3A_244[%parallel_loop3A_245] {strides = array<i32>} : memref<256xf32, #tpu.memory_space<vmem>>, vector<16xf32>,
        %parallel_loop3A_247 = vector.shape_cast %parallel_loop3A_246 : vector<16xf32> to vector<16xf32>
        %parallel_loop3A_248 = arith.constant 0 : i32
        %parallel_loop3A_249 = tpu.memref_slice %arg8[%parallel_loop3A_72, %parallel_loop3A_248] : memref<128x304xf32, #tpu.memory_space<vmem>> -> memref<1x304xf32, #tpu.memory_space<vmem>>
        %parallel_loop3A_250 = tpu.memref_squeeze %parallel_loop3A_249 : memref<1x304xf32, #tpu.memory_space<vmem>> -> memref<304xf32, #tpu.memory_space<vmem>>
        %parallel_loop3A_251 = arith.constant 208 : index
        %parallel_loop3A_252 = tpu.vector_load %parallel_loop3A_250[%parallel_loop3A_251] {strides = array<i32>} : memref<304xf32, #tpu.memory_space<vmem>>, vector<16xf32>,
        %parallel_loop3A_253 = vector.shape_cast %parallel_loop3A_252 : vector<16xf32> to vector<16xf32>
        %parallel_loop3A_254 = vector.shape_cast %parallel_loop3A_247 : vector<16xf32> to vector<16xf32>
        tpu.vector_store %parallel_loop3A_250[%parallel_loop3A_251], %parallel_loop3A_254 {add = true, strides = array<i32>} : memref<304xf32, #tpu.memory_space<vmem>>, vector<16xf32>,
        %parallel_loop3A_255 = arith.constant 0 : i32
        %parallel_loop3A_256 = tpu.memref_slice %arg10[%parallel_loop3A_70, %parallel_loop3A_255] : memref<64x256xf32, #tpu.memory_space<vmem>> -> memref<1x256xf32, #tpu.memory_space<vmem>>
        %parallel_loop3A_257 = tpu.memref_squeeze %parallel_loop3A_256 : memref<1x256xf32, #tpu.memory_space<vmem>> -> memref<256xf32, #tpu.memory_space<vmem>>
        %parallel_loop3A_258 = arith.constant 224 : index
        %parallel_loop3A_259 = tpu.vector_load %parallel_loop3A_257[%parallel_loop3A_258] {strides = array<i32>} : memref<256xf32, #tpu.memory_space<vmem>>, vector<16xf32>,
        %parallel_loop3A_260 = vector.shape_cast %parallel_loop3A_259 : vector<16xf32> to vector<16xf32>
        %parallel_loop3A_261 = arith.constant 0 : i32
        %parallel_loop3A_262 = tpu.memref_slice %arg8[%parallel_loop3A_72, %parallel_loop3A_261] : memref<128x304xf32, #tpu.memory_space<vmem>> -> memref<1x304xf32, #tpu.memory_space<vmem>>
        %parallel_loop3A_263 = tpu.memref_squeeze %parallel_loop3A_262 : memref<1x304xf32, #tpu.memory_space<vmem>> -> memref<304xf32, #tpu.memory_space<vmem>>
        %parallel_loop3A_264 = arith.constant 224 : index
        %parallel_loop3A_265 = tpu.vector_load %parallel_loop3A_263[%parallel_loop3A_264] {strides = array<i32>} : memref<304xf32, #tpu.memory_space<vmem>>, vector<16xf32>,
        %parallel_loop3A_266 = vector.shape_cast %parallel_loop3A_265 : vector<16xf32> to vector<16xf32>
        %parallel_loop3A_267 = vector.shape_cast %parallel_loop3A_260 : vector<16xf32> to vector<16xf32>
        tpu.vector_store %parallel_loop3A_263[%parallel_loop3A_264], %parallel_loop3A_267 {add = true, strides = array<i32>} : memref<304xf32, #tpu.memory_space<vmem>>, vector<16xf32>,
        %parallel_loop3A_268 = arith.constant 0 : i32
        %parallel_loop3A_269 = tpu.memref_slice %arg10[%parallel_loop3A_70, %parallel_loop3A_268] : memref<64x256xf32, #tpu.memory_space<vmem>> -> memref<1x256xf32, #tpu.memory_space<vmem>>
        %parallel_loop3A_270 = tpu.memref_squeeze %parallel_loop3A_269 : memref<1x256xf32, #tpu.memory_space<vmem>> -> memref<256xf32, #tpu.memory_space<vmem>>
        %parallel_loop3A_271 = arith.constant 240 : index
        %parallel_loop3A_272 = tpu.vector_load %parallel_loop3A_270[%parallel_loop3A_271] {strides = array<i32>} : memref<256xf32, #tpu.memory_space<vmem>>, vector<16xf32>,
        %parallel_loop3A_273 = vector.shape_cast %parallel_loop3A_272 : vector<16xf32> to vector<16xf32>
        %parallel_loop3A_274 = arith.constant 0 : i32
        %parallel_loop3A_275 = tpu.memref_slice %arg8[%parallel_loop3A_72, %parallel_loop3A_274] : memref<128x304xf32, #tpu.memory_space<vmem>> -> memref<1x304xf32, #tpu.memory_space<vmem>>
        %parallel_loop3A_276 = tpu.memref_squeeze %parallel_loop3A_275 : memref<1x304xf32, #tpu.memory_space<vmem>> -> memref<304xf32, #tpu.memory_space<vmem>>
        %parallel_loop3A_277 = arith.constant 240 : index
        %parallel_loop3A_278 = tpu.vector_load %parallel_loop3A_276[%parallel_loop3A_277] {strides = array<i32>} : memref<304xf32, #tpu.memory_space<vmem>>, vector<16xf32>,
        %parallel_loop3A_279 = vector.shape_cast %parallel_loop3A_278 : vector<16xf32> to vector<16xf32>
        %parallel_loop3A_280 = vector.shape_cast %parallel_loop3A_273 : vector<16xf32> to vector<16xf32>
        tpu.vector_store %parallel_loop3A_276[%parallel_loop3A_277], %parallel_loop3A_280 {add = true, strides = array<i32>} : memref<304xf32, #tpu.memory_space<vmem>>, vector<16xf32>,
        %parallel_loop3A_281 = arith.constant 0 : i32
        %parallel_loop3A_282 = tpu.memref_slice %arg12[%parallel_loop3A_70, %parallel_loop3A_281] : memref<64x128xf32, #tpu.memory_space<vmem>> -> memref<1x128xf32, #tpu.memory_space<vmem>>
        %parallel_loop3A_283 = tpu.memref_squeeze %parallel_loop3A_282 : memref<1x128xf32, #tpu.memory_space<vmem>> -> memref<128xf32, #tpu.memory_space<vmem>>
        %parallel_loop3A_284 = arith.constant 0 : index
        %parallel_loop3A_285 = tpu.vector_load %parallel_loop3A_283[%parallel_loop3A_284] {strides = array<i32>} : memref<128xf32, #tpu.memory_space<vmem>>, vector<16xf32>,
        %parallel_loop3A_286 = vector.shape_cast %parallel_loop3A_285 : vector<16xf32> to vector<16xf32>
        %parallel_loop3A_287 = arith.constant 0 : i32
        %parallel_loop3A_288 = tpu.memref_slice %arg8[%parallel_loop3A_72, %parallel_loop3A_287] : memref<128x304xf32, #tpu.memory_space<vmem>> -> memref<1x304xf32, #tpu.memory_space<vmem>>
        %parallel_loop3A_289 = tpu.memref_squeeze %parallel_loop3A_288 : memref<1x304xf32, #tpu.memory_space<vmem>> -> memref<304xf32, #tpu.memory_space<vmem>>
        %parallel_loop3A_290 = arith.constant 256 : index
        %parallel_loop3A_291 = tpu.vector_load %parallel_loop3A_289[%parallel_loop3A_290] {strides = array<i32>} : memref<304xf32, #tpu.memory_space<vmem>>, vector<16xf32>,
        %parallel_loop3A_292 = vector.shape_cast %parallel_loop3A_291 : vector<16xf32> to vector<16xf32>
        %parallel_loop3A_293 = vector.shape_cast %parallel_loop3A_286 : vector<16xf32> to vector<16xf32>
        tpu.vector_store %parallel_loop3A_289[%parallel_loop3A_290], %parallel_loop3A_293 {add = true, strides = array<i32>} : memref<304xf32, #tpu.memory_space<vmem>>, vector<16xf32>,
        %parallel_loop3A_294 = arith.constant 0 : i32
        %parallel_loop3A_295 = tpu.memref_slice %arg12[%parallel_loop3A_70, %parallel_loop3A_294] : memref<64x128xf32, #tpu.memory_space<vmem>> -> memref<1x128xf32, #tpu.memory_space<vmem>>
        %parallel_loop3A_296 = tpu.memref_squeeze %parallel_loop3A_295 : memref<1x128xf32, #tpu.memory_space<vmem>> -> memref<128xf32, #tpu.memory_space<vmem>>
        %parallel_loop3A_297 = arith.constant 16 : index
        %parallel_loop3A_298 = tpu.vector_load %parallel_loop3A_296[%parallel_loop3A_297] {strides = array<i32>} : memref<128xf32, #tpu.memory_space<vmem>>, vector<16xf32>,
        %parallel_loop3A_299 = vector.shape_cast %parallel_loop3A_298 : vector<16xf32> to vector<16xf32>
        %parallel_loop3A_300 = arith.constant 0 : i32
        %parallel_loop3A_301 = tpu.memref_slice %arg8[%parallel_loop3A_72, %parallel_loop3A_300] : memref<128x304xf32, #tpu.memory_space<vmem>> -> memref<1x304xf32, #tpu.memory_space<vmem>>
        %parallel_loop3A_302 = tpu.memref_squeeze %parallel_loop3A_301 : memref<1x304xf32, #tpu.memory_space<vmem>> -> memref<304xf32, #tpu.memory_space<vmem>>
        %parallel_loop3A_303 = arith.constant 272 : index
        %parallel_loop3A_304 = tpu.vector_load %parallel_loop3A_302[%parallel_loop3A_303] {strides = array<i32>} : memref<304xf32, #tpu.memory_space<vmem>>, vector<16xf32>,
        %parallel_loop3A_305 = vector.shape_cast %parallel_loop3A_304 : vector<16xf32> to vector<16xf32>
        %parallel_loop3A_306 = vector.shape_cast %parallel_loop3A_299 : vector<16xf32> to vector<16xf32>
        tpu.vector_store %parallel_loop3A_302[%parallel_loop3A_303], %parallel_loop3A_306 {add = true, strides = array<i32>} : memref<304xf32, #tpu.memory_space<vmem>>, vector<16xf32>,
        %parallel_loop3A_307 = arith.constant 0 : i32
        %parallel_loop3A_308 = tpu.memref_slice %arg12[%parallel_loop3A_70, %parallel_loop3A_307] : memref<64x128xf32, #tpu.memory_space<vmem>> -> memref<1x128xf32, #tpu.memory_space<vmem>>
        %parallel_loop3A_309 = tpu.memref_squeeze %parallel_loop3A_308 : memref<1x128xf32, #tpu.memory_space<vmem>> -> memref<128xf32, #tpu.memory_space<vmem>>
        %parallel_loop3A_310 = arith.constant 32 : index
        %parallel_loop3A_311 = tpu.vector_load %parallel_loop3A_309[%parallel_loop3A_310] {strides = array<i32>} : memref<128xf32, #tpu.memory_space<vmem>>, vector<16xf32>,
        %parallel_loop3A_312 = vector.shape_cast %parallel_loop3A_311 : vector<16xf32> to vector<16xf32>
        %parallel_loop3A_313 = arith.constant 0 : i32
        %parallel_loop3A_314 = tpu.memref_slice %arg8[%parallel_loop3A_72, %parallel_loop3A_313] : memref<128x304xf32, #tpu.memory_space<vmem>> -> memref<1x304xf32, #tpu.memory_space<vmem>>
        %parallel_loop3A_315 = tpu.memref_squeeze %parallel_loop3A_314 : memref<1x304xf32, #tpu.memory_space<vmem>> -> memref<304xf32, #tpu.memory_space<vmem>>
        %parallel_loop3A_316 = arith.constant 288 : index
        %parallel_loop3A_317 = tpu.vector_load %parallel_loop3A_315[%parallel_loop3A_316] {strides = array<i32>} : memref<304xf32, #tpu.memory_space<vmem>>, vector<16xf32>,
        %parallel_loop3A_318 = vector.shape_cast %parallel_loop3A_317 : vector<16xf32> to vector<16xf32>
        %parallel_loop3A_319 = vector.shape_cast %parallel_loop3A_312 : vector<16xf32> to vector<16xf32>
        tpu.vector_store %parallel_loop3A_315[%parallel_loop3A_316], %parallel_loop3A_319 {add = true, strides = array<i32>} : memref<304xf32, #tpu.memory_space<vmem>>, vector<16xf32>,
      } {sc.loop_unroll_factor = 8 : i64, sc.parallel_access}
    }
    %scan3A_20 = arith.constant 50 : i32
    %mul3A_21 = arith.constant 128 : i32
    %mul3A_22 = arith.muli %add3A, %mul3A_21 : i32
    "tpu.region"() ({
      %run_scoped3A = tpu.sem_alloc : memref<!tpu.dma_semaphore, #tpu.memory_space<semaphore_mem>>
      %dma_start3A_23 = arith.constant 0 : i32
      %dma_start3A_24 = tpu.memref_slice %arg6[%mul3A_22, %dma_start3A_23] : memref<4096x304xf32, #tpu.memory_space<hbm>> -> memref<128x304xf32, #tpu.memory_space<hbm>>
      %dma_start3A_25 = arith.constant 0 : i32
      %dma_start3A_26 = tpu.memref_slice %arg6[%mul3A_22, %dma_start3A_25] : memref<4096x304xf32, #tpu.memory_space<hbm>> -> memref<128x304xf32, #tpu.memory_space<hbm>>
      tpu.enqueue_dma source(%arg8 : memref<128x304xf32, #tpu.memory_space<vmem>>) target(%dma_start3A_26 : memref<128x304xf32, #tpu.memory_space<hbm>>) target_semaphore(%run_scoped3A : memref<!tpu.dma_semaphore, #tpu.memory_space<semaphore_mem>>)
      %dma_wait3A = arith.constant 0 : i32
      %dma_wait3A_27 = tpu.memref_slice %arg6[%mul3A_22, %dma_wait3A] : memref<4096x304xf32, #tpu.memory_space<hbm>> -> memref<128x304xf32, #tpu.memory_space<hbm>>
      %dma_wait3A_28 = arith.constant 0 : i32
      %dma_wait3A_29 = tpu.memref_slice %arg6[%mul3A_22, %dma_wait3A_28] : memref<4096x304xf32, #tpu.memory_space<hbm>> -> memref<128x304xf32, #tpu.memory_space<hbm>>
      tpu.wait_dma2 semaphore(%run_scoped3A : memref<!tpu.dma_semaphore, #tpu.memory_space<semaphore_mem>>) src(%arg8 : memref<128x304xf32, #tpu.memory_space<vmem>>) dst(%dma_wait3A_29 : memref<128x304xf32, #tpu.memory_space<hbm>>)
      tpu.yield
    }) : () -> ()
    return
  }
}

module attributes {stable_mosaic.version = 14 : i64} {
  func.func @_mlp_body(%arg0: i32, %arg1: memref<1024x304xf32, #tpu.memory_space<vmem>>, %arg2: memref<1024x1xf32, #tpu.memory_space<vmem>>, %arg3: memref<304x300xf32, #tpu.memory_space<vmem>>, %arg4: memref<1x300xf32, #tpu.memory_space<vmem>>, %arg5: memref<300x1000xf32, #tpu.memory_space<vmem>>, %arg6: memref<1x1000xf32, #tpu.memory_space<vmem>>, %arg7: memref<1024x1000xf32, #tpu.memory_space<vmem>>) attributes {dimension_semantics = [#tpu.dimension_semantics<arbitrary>], iteration_bounds = array<i64: 4>, scalar_prefetch = 0 : i64, scratch_operands = 0 : i64, tpu.core_type = #tpu.core_type<tc>, window_params = [{transform_indices = @transform_0, window_bounds = array<i64: 1024, 304>}, {transform_indices = @transform_1, window_bounds = array<i64: 1024, 1>}, {pipeline_mode = #tpu.pipeline_mode<synchronous>, transform_indices = @transform_2, window_bounds = array<i64: 304, 300>}, {pipeline_mode = #tpu.pipeline_mode<synchronous>, transform_indices = @transform_3, window_bounds = array<i64: 1, 300>}, {pipeline_mode = #tpu.pipeline_mode<synchronous>, transform_indices = @transform_4, window_bounds = array<i64: 300, 1000>}, {pipeline_mode = #tpu.pipeline_mode<synchronous>, transform_indices = @transform_5, window_bounds = array<i64: 1, 1000>}, {transform_indices = @transform_6, window_bounds = array<i64: 1024, 1000>}]} {
    %get3A = arith.constant 0 : index
    %get3A_0 = arith.constant 0 : index
    %get3A_1 = vector.load %arg1[%get3A, %get3A_0] : memref<1024x304xf32, #tpu.memory_space<vmem>>, vector<1024x304xf32>
    %get3A_2 = arith.constant 0 : index
    %get3A_3 = arith.constant 0 : index
    %get3A_4 = vector.load %arg2[%get3A_2, %get3A_3] : memref<1024x1xf32, #tpu.memory_space<vmem>>, vector<1024x1xf32>
    %div3A = vector.broadcast %get3A_4 : vector<1024x1xf32> to vector<1024x304xf32>
    %div3A_5 = arith.divf %get3A_1, %div3A : vector<1024x304xf32>
    %get3A_6 = arith.constant 0 : index
    %get3A_7 = arith.constant 0 : index
    %get3A_8 = vector.load %arg3[%get3A_6, %get3A_7] : memref<304x300xf32, #tpu.memory_space<vmem>>, vector<304x300xf32>
    %dot_general3A = arith.constant dense<0.000000e+00> : vector<1024x300xf32>
    %dot_general3A_9 = tpu.matmul %div3A_5, %get3A_8, %dot_general3A {dimension_numbers = #tpu.dot_dimension_numbers<[1], [0], [0], [1], [0, 0, 1, 1], [], []>, transpose_lhs_hint = false} : vector<1024x304xf32>, vector<304x300xf32>, vector<1024x300xf32> -> vector<1024x300xf32>
    %get3A_10 = arith.constant 0 : index
    %get3A_11 = arith.constant 0 : index
    %get3A_12 = vector.load %arg4[%get3A_10, %get3A_11] : memref<1x300xf32, #tpu.memory_space<vmem>>, vector<1x300xf32>
    %add3A = vector.broadcast %get3A_12 : vector<1x300xf32> to vector<1024x300xf32>
    %add3A_13 = arith.addf %dot_general3A_9, %add3A : vector<1024x300xf32>
    %max3A = arith.constant 0.000000e+00 : f32
    %max3A_14 = vector.broadcast %max3A : f32 to vector<1024x300xf32>
    %max3A_15 = arith.maximumf %add3A_13, %max3A_14 : vector<1024x300xf32>
    %get3A_16 = arith.constant 0 : index
    %get3A_17 = arith.constant 0 : index
    %get3A_18 = vector.load %arg5[%get3A_16, %get3A_17] : memref<300x1000xf32, #tpu.memory_space<vmem>>, vector<300x1000xf32>
    %dot_general3A_19 = arith.constant dense<0.000000e+00> : vector<1024x1000xf32>
    %dot_general3A_20 = tpu.matmul %max3A_15, %get3A_18, %dot_general3A_19 {dimension_numbers = #tpu.dot_dimension_numbers<[1], [0], [0], [1], [0, 0, 1, 1], [], []>, transpose_lhs_hint = false} : vector<1024x300xf32>, vector<300x1000xf32>, vector<1024x1000xf32> -> vector<1024x1000xf32>
    %get3A_21 = arith.constant 0 : index
    %get3A_22 = arith.constant 0 : index
    %get3A_23 = vector.load %arg6[%get3A_21, %get3A_22] : memref<1x1000xf32, #tpu.memory_space<vmem>>, vector<1x1000xf32>
    %add3A_24 = vector.broadcast %get3A_23 : vector<1x1000xf32> to vector<1024x1000xf32>
    %add3A_25 = arith.addf %dot_general3A_20, %add3A_24 : vector<1024x1000xf32>
    %swap3A = arith.constant 0 : index
    %swap3A_26 = arith.constant 0 : index
    %swap3A_27 = vector.load %arg7[%swap3A, %swap3A_26] : memref<1024x1000xf32, #tpu.memory_space<vmem>>, vector<1024x1000xf32>
    tpu.vector_store %arg7[%swap3A, %swap3A_26], %add3A_25 {strides = array<i32>} : memref<1024x1000xf32, #tpu.memory_space<vmem>>, vector<1024x1000xf32>,
    return
  }
  func.func @transform_0(%arg0: i32) -> (i32, i32) {
    %c0_i32 = arith.constant 0 : i32
    %c0_i32_0 = arith.constant 0 : i32
    return %arg0, %c0_i32 : i32, i32
  }
  func.func @transform_1(%arg0: i32) -> (i32, i32) {
    %c0_i32 = arith.constant 0 : i32
    %c0_i32_0 = arith.constant 0 : i32
    return %arg0, %c0_i32 : i32, i32
  }
  func.func @transform_2(%arg0: i32) -> (i32, i32) {
    %c0_i32 = arith.constant 0 : i32
    %c0_i32_0 = arith.constant 0 : i32
    %c0_i32_1 = arith.constant 0 : i32
    return %c0_i32, %c0_i32_0 : i32, i32
  }
  func.func @transform_3(%arg0: i32) -> (i32, i32) {
    %c0_i32 = arith.constant 0 : i32
    %c0_i32_0 = arith.constant 0 : i32
    %c0_i32_1 = arith.constant 0 : i32
    return %c0_i32, %c0_i32_0 : i32, i32
  }
  func.func @transform_4(%arg0: i32) -> (i32, i32) {
    %c0_i32 = arith.constant 0 : i32
    %c0_i32_0 = arith.constant 0 : i32
    %c0_i32_1 = arith.constant 0 : i32
    return %c0_i32, %c0_i32_0 : i32, i32
  }
  func.func @transform_5(%arg0: i32) -> (i32, i32) {
    %c0_i32 = arith.constant 0 : i32
    %c0_i32_0 = arith.constant 0 : i32
    %c0_i32_1 = arith.constant 0 : i32
    return %c0_i32, %c0_i32_0 : i32, i32
  }
  func.func @transform_6(%arg0: i32) -> (i32, i32) {
    %c0_i32 = arith.constant 0 : i32
    %c0_i32_0 = arith.constant 0 : i32
    return %arg0, %c0_i32 : i32, i32
  }
}

</mosaic_0001>

<sc_bundles>
// kernel: kernel.4.cloned.1.call-start
scs
__scs_entry_jumppad:
0x0: {  	(pc) =	sbr.rel $0x88, $3  }
0x1: {  	(tag) =	ssettag $0x0;
	lr =	simm.s32 $0x1  }
0x2: {  	[smem:$0x3F9A] =	sst lr;
	_ =	strace $0xD0000000  }
0x3: {  	_ = 	snop  }
0x4: {  	_ = 	snop  }
0x5: {  	_ = 	snop  }
0x6: {  	_ = 	snop  }
0x7: {  	_ = 	snop  }
__scs_overlays_trampoline_lowered:
0x8: {  	[smem:$0x3FA9] =	sst s0  }
0x9: {  	[smem:$0x3FAA] =	sst s1  }
0xa: {  	[smem:$0x3FAB] =	sst s2  }
0xb: {  	[smem:$0x3FAC] =	sst s3  }
0xc: {  	[smem:$0x3FAD] =	sst s4  }
0xd: {  	[smem:$0x3FAE] =	sst s5  }
0xe: {  	[smem:$0x3FAF] =	sst s6  }
0xf: {  	[smem:$0x3FB0] =	sst s7  }
0x10: {  	[smem:$0x3FB1] =	sst s8  }
0x11: {  	[smem:$0x3FB2] =	sst s9;
	s0 =	simm.s32 @!p0 $0x0  }
0x12: {  	s1 =	sld [smem:$0x3F98];
	s0 =	simm.s32 @p0 $0x1  }
0x13: {  	[smem:$0x3FB3] =	sst s0;
	s0 =	simm.s32 @!p1 $0x0  }
0x14: {  	s2 =	sld [smem:$0x3F97];
	s0 =	simm.s32 @p1 $0x1  }
0x15: {  	[smem:$0x3FB4] =	sst s0;
	s0 =	simm.s32 @!p2 $0x0  }
0x16: {  	s3 =	sld [smem:$0x3FDB];
	s0 =	simm.s32 @p2 $0x1  }
0x17: {  	s4 =	simm.s32 $0x1BF5;
	[smem:$0x3FB6] =	sst s0  }
0x18: {  	s0 =	sld [smem:$0x3F99];
	_ =	swait.ge [sflag:s4], $0x0  }
0x19: {  	s7 =	sld [smem:$0x3F9A]  }
0x1a: {  	s8 =	sadd.s32 $0xFFFFE003, lr  }
0x1b: {  	s9 =	sadd.s32 $0xFFFFFEF7, lr;
	s5 =	simm.s32 $0xFFFFFFFF;
	p2 =	slt.u32 s8, $0xFFFFF086  }
0x1c: {  	p1 =	slt.u32 s9, $0xF7A;
	s5 =	simm.s32 @!p2 $0x0  }
0x1d: {  	s5 =	simm.s32 @p1 $0x1;
	p0 =	seq.s32 s7, s2  }
0x1e: {  	s7 =	smul.u32 @!p0 $0xF7A, s2;
	p2 =	seq.s32 @!p0 s5, $0x0  }
0x1f: {  	s9 =	smul.u32 $0xF7A, s1;
	s8 =	simm.s32 @!p0 $0x1BF5;
	p2 =	por !p2, p0  }
0x20: {  	[sflag:s8] =	ssyncset.s32 @!p0 $0xFFFFF086;
	s6 =	sadd.s32 @!p0 s3, s7;
	s7 =	simm.s32 @!p0 $0x108  }
0x21: {  	s3 =	sadd.s32 s3, s9;
	s6 =	sadd.s32 @!p0 $0x88, s6;
	s7 =	simm.s32 @p2 $0x1082  }
0x22: {  	[simem:s7], [sflag:s8] =	dma.local @!p0 [hbm:s6], $0xF7A  }
0x23: {  	s9 =	sor.u32 $0xD0000000, s2;
	s6 =	simm.s32 $0x108;
	_ =	swait.ge @!p0 [sflag:s8], $0x0  }
0x24: {  	s3 =	sadd.s32 $0x88, s3;
	s6 =	simm.s32 @!p1 $0x1082;
	[sflag:s4] =	ssyncset.s32 $0xFFFFF086  }
0x25: {  	[simem:s6], [sflag:s4] =	dma.local [hbm:s3], $0xF7A  }
0x26: {  	[smem:$0x3F9A] =	sst s1;
	(tag) =	ssettag s2;
	_ =	strace s9  }
0x27: {  	s1 =	sld [smem:$0x3FAA]  }
0x28: {  	s2 =	sld [smem:$0x3FAB]  }
0x29: {  	s4 =	sld [smem:$0x3FAD]  }
0x2a: {  	p0 =	seq.s32 s5, $0x0;
	s5 =	sld [smem:$0x3FAE]  }
0x2b: {  	s6 =	sld [smem:$0x3FAF]  }
0x2c: {  	s7 =	sld [smem:$0x3FB0]  }
0x2d: {  	s3 =	simm.s32 $0x108;
	s8 =	sld [smem:$0x3FB1]  }
0x2e: {  	s3 =	simm.s32 @!p0 $0x1082;
	s9 =	sld [smem:$0x3FB2]  }
0x2f: {  	lr =	sadd.s32 s0, s3;
	s0 =	sld [smem:$0x3FA9]  }
0x30: {  	s3 =	sld [smem:$0x3FAC]  }
0x31: {  	[smem:$0x3FB5] =	sst s10  }
0x32: {  	s10 =	sld [smem:$0x3FB3];
	_ =	sdelay $0x3  }
0x33: {  	p0 =	seq.s32 s10, $0x1;
	s10 =	sld [smem:$0x3FB5];
	_ =	sdelay $0x3  }
0x34: {  	[smem:$0x3FB5] =	sst s10  }
0x35: {  	s10 =	sld [smem:$0x3FB4];
	_ =	sdelay $0x3  }
0x36: {  	p1 =	seq.s32 s10, $0x1;
	s10 =	sld [smem:$0x3FB5];
	_ =	sdelay $0x3  }
0x37: {  	[smem:$0x3FB5] =	sst s10  }
0x38: {  	s10 =	sld [smem:$0x3FB6]  }
0x39: {  	_ = 	snop;
	(pc) =	sbr.ind lr, $3  }
0x3a: {  	_ = 	snop  }
0x3b: {  	_ = 	snop  }
0x3c: {  	p2 =	seq.s32 s10, $0x1;
	s10 =	sld [smem:$0x3FB5]  }
0x3d: {  	_ =	shalt  }
0x3e: {  	_ =	shalt  }
0x3f: {  	_ =	shalt  }
0x40: {  	_ =	shalt  }
0x41: {  	_ =	shalt  }
0x42: {  	_ =	shalt  }
0x43: {  	_ =	shalt  }
0x44: {  	_ =	shalt  }
0x45: {  	_ =	shalt  }
0x46: {  	_ =	shalt  }
0x47: {  	_ =	shalt  }
0x48: {  	_ =	shalt  }
0x49: {  	_ =	shalt  }
0x4a: {  	_ =	shalt  }
0x4b: {  	_ =	shalt  }
0x4c: {  	_ =	shalt  }
0x4d: {  	_ =	shalt  }
0x4e: {  	_ =	shalt  }
0x4f: {  	_ =	shalt  }
0x50: {  	_ =	shalt  }
0x51: {  	_ =	shalt  }
0x52: {  	_ =	shalt  }
0x53: {  	_ =	shalt  }
0x54: {  	_ =	shalt  }
0x55: {  	_ =	shalt  }
0x56: {  	_ =	shalt  }
0x57: {  	_ =	shalt  }
0x58: {  	_ =	shalt  }
0x59: {  	_ =	shalt  }
0x5a: {  	_ =	shalt  }
0x5b: {  	_ =	shalt  }
0x5c: {  	_ =	shalt  }
0x5d: {  	_ =	shalt  }
0x5e: {  	_ =	shalt  }
0x5f: {  	_ =	shalt  }
0x60: {  	_ =	shalt  }
0x61: {  	_ =	shalt  }
0x62: {  	_ =	shalt  }
0x63: {  	_ =	shalt  }
0x64: {  	_ =	shalt  }
0x65: {  	_ =	shalt  }
0x66: {  	_ =	shalt  }
0x67: {  	_ =	shalt  }
0x68: {  	_ =	shalt  }
0x69: {  	_ =	shalt  }
0x6a: {  	_ =	shalt  }
0x6b: {  	_ =	shalt  }
0x6c: {  	_ =	shalt  }
0x6d: {  	_ =	shalt  }
0x6e: {  	_ =	shalt  }
0x6f: {  	_ =	shalt  }
0x70: {  	_ =	shalt  }
0x71: {  	_ =	shalt  }
0x72: {  	_ =	shalt  }
0x73: {  	_ =	shalt  }
0x74: {  	_ =	shalt  }
0x75: {  	_ =	shalt  }
0x76: {  	_ =	shalt  }
0x77: {  	_ =	shalt  }
0x78: {  	_ =	shalt  }
0x79: {  	_ =	shalt  }
0x7a: {  	_ =	shalt  }
0x7b: {  	_ =	shalt  }
0x7c: {  	_ =	shalt  }
0x7d: {  	_ =	shalt  }
0x7e: {  	_ =	shalt  }
0x7f: {  	_ =	shalt  }
0x80: {  	_ =	shalt  }
0x81: {  	_ =	shalt  }
0x82: {  	_ =	shalt  }
0x83: {  	_ =	shalt  }
0x84: {  	_ =	shalt  }
0x85: {  	_ =	shalt  }
0x86: {  	_ =	shalt  }
0x87: {  	_ =	shalt  }
.Lfunc_end0:
.L_simem_size_0:
called_computation_lowered:
.L_overlay_start_0:
0x88: {  	s2 =	sld [smem:$0x3FD9]  }
0x89: {  	s3 =	sld [smem:$0x3FFE];
	_ =	sdelay $0x1  }
0x8a: {  	s1 =	srdreg.scid  }
0x8b: {  	s0 =	sand.u32 $0x1, s1  }
0x8c: {  	s17 =	sshll.u32 s0, $0xA;
	s2 =	sadd.s32 s3, s2  }
0x8d: {  	s2 =	sadd.s32 s2, s17  }
0x8e: {  	[smem:$0x3FC1] =	sst s2  }
0x8f: {  	_ = 	snop  }
0x90: {  	s2 =	sld [smem:$0x3FC9]  }
0x91: {  	s18 =	sld [smem:$0x3FD0];
	(tm) =	ssettm $0x1  }
0x92: {  	s4 =	sld [smem:$0x3FFB];
	_ =	sdelay $0x3  }
0x93: {  	_ =	strace s4  }
0x94: {  	s4 =	sld [smem:$0x3FFC];
	_ =	sdelay $0x3  }
0x95: {  	_ =	strace s4  }
0x96: {  	s4 =	sld [smem:$0x3FFD];
	_ =	sdelay $0x3  }
0x97: {  	_ =	strace s4  }
0x98: {  	_ =	strace $0x8FFFFFFF  }
0x99: {  	s19 =	sld [smem:$0x3FDB];
	_ =	sdelay $0x1  }
0x9a: {  	s5 =	simm.s32 $_scs_section_size  }
0x9b: {  	s6 =	simm.s32 $_size__tile_overlayer_lowered;
	s7 =	simm.s32 $_tile_overlayer_lowered  }
0x9c: {  	s22 =	simm.s32 $0x1BFF;
	s21 =	sshll.u32 s7, $0x1;
	s4 =	sadd.s32 s5, s19  }
0x9d: {  	s8 =	simm.s32 $0x0;
	s20 =	sshll.u32 s6, $0x1;
	s6 =	sadd.s32 s21, s4  }
0x9e: {  	[timem:s8], [sflag:s22] =	dma.local [hbm:s6], s20  }
0x9f: {  	_ =	swait.ge [sflag:s22], s20  }
0xa0: {  	s5 =	ssub.s32 $0x0, s20;
	[sflag:s22] =	ssyncset.done $0x0  }
0xa1: {  	[sflag:s22] =	ssyncadd.s32 s5;
	_ =	sdelay $0x1  }
0xa2: {  	s23 =	simm.s32 $0x1B8B  }
0xa3: {  	_ =	swait.ge [sflag:s23], $0x1  }
0xa4: {  	[sflag:s23] =	ssyncset.done $0x0  }
0xa5: {  	s25 =	simm.s32 $0x1B8E;
	s24 =	sld [smem:$0x3FFE];
	[sflag:s23] =	ssyncadd.s32 $0xFFFFFFFF  }
0xa6: {  	s26 =	simm.s32 $execute0_lowered;
	[smem:$0x3FD2] =	sst s25  }
0xa7: {  	s6 =	sshll.u32 s26, $0x1;
	_ =	strace $0x80000046;
	[dreg:$0x1] =	wrdreg $0xFFFFFFFF  }
0xa8: {  	s28 =	simm.s32 $_size_execute0_lowered;
	s4 =	sadd.s32 s4, s6;
	[dreg:$0x0] =	wrdreg $0x0  }
0xa9: {  	s6 =	sshll.u32 s28, $0x1;
	[dreg:$0x2] =	wrdreg s4  }
0xaa: {  	[dreg:$0x3] =	wrdreg s6  }
0xab: {  	[dreg:$0x4] =	wrdreg $0xC0  }
0xac: {  	_ =	task [dreg:s8], $0x5FFFF  }
0xad: {  	[dreg:$0x1] =	wrdreg $0xFFFFFFFF  }
0xae: {  	[dreg:$0x0] =	wrdreg $0x60  }
0xaf: {  	[dreg:$0x2] =	wrdreg s2  }
0xb0: {  	[dreg:$0x3] =	wrdreg s24  }
0xb1: {  	[dreg:$0x4] =	wrdreg s18  }
0xb2: {  	[dreg:$0x5] =	wrdreg $0x9  }
0xb3: {  	_ =	task.clear_ibuf [dreg:s8], $0x6FFFF;
	_ =	strace $0x90000046  }
0xb4: {  	s29 =	simm.s32 $0x9;
	_ =	strace $0x80000048  }
0xb5: {  	_ =	swait.ge [sflag:s29], $0x1  }
0xb6: {  	[sflag:s29] =	ssyncadd.s32 $0xFFFFFFFF  }
0xb7: {  	_ =	strace $0x90000048  }
0xb8: {  	_ =	sfence  }
0xb9: {  	s30 =	sld [smem:$0x0];
	_ =	sdelay $0x2  }
0xba: {  	s31 =	sshll.u32 s1, $0xD;
	s1 =	sshrl.u32 s1, $0x2  }
0xbb: {  	s3 =	sand.u32 $0x4000, s31;
	s1 =	sadd.s32 s1, s30  }
0xbc: {  	s0 =	sor.u32 s3, s0;
	s1 =	sshll.u32 s1, $0x11  }
0xbd: {  	s0 =	sor.u32 s1, s0  }
0xbe: {  	s0 =	sadd.s32 $0x8F2B, s0  }
0xbf: {  	[sflag:s0] =	ssyncadd.remote.s32 $0x1  }
0xc0: {  	_ =	sfence.sel $0xFFFF  }
0xc1: {  	[dreg:$0x0] =	wrdreg $0xFFFFFFFF;
	(pc) =	sbr.abs _section_cstart, $3  }
0xc2: {  	[dreg:$0x1] =	wrdreg $0xFFFFFFFF  }
0xc3: {  	_ =	task.clear_ibuf [dreg:s8], $0x2FFFF;
	_ =	strace $0x9FFFFFFF  }
0xc4: {  	(tm) =	ssettm $0x7FFFFFFF  }
0xc5: {  	_ =	shalt  }
tec
execute0_lowered:
.L_overlay_start_1:
0x0: {  	(tag) =	ssettag $0x1  }
0x1: {  	s0 =	rddreg [dreg:$0x0]  }
0x2: {  	s1 =	rddreg [dreg:$0x1]  }
0x3: {  	s8 =	rddreg [dreg:$0x2];
	s3 =	srdreg.scid;
	s2 =	simm.s32 $0x0  }
0x4: {  	s5 =	stileid.u32;
	s13 =	simm.s32 $0x3;
	s14 =	simm.s32 $0x1C00  }
0x5: {  	s22 =	simm.s32 $0x11400;
	s23 =	simm.s32 $0x40;
	s28 =	simm.s32 $0x12C00  }
0x6: {  	s29 =	simm.s32 $0x13400;
	s30 =	simm.s32 $0x13C00;
	s31 =	simm.s32 $0x14400  }
0x7: {  	s11 =	simm.s32 $0x1;
	s12 =	simm.s32 $0x2;
	s15 =	simm.s32 $0x0  }
0x8: {  	s4 =	sand.u32 $0x1, s3;
	[smem:$0x7FF] =	sst s2;
	s24 =	sshll.u32 s5, $0x8  }
0x9: {  	s3 =	sadd.s32 $0x1000, s1;
	s25 =	sshll.u32 s4, $0x7;
	_ =	strace $0x80000047  }
0xa: {  	s7 =	ssub.s32 $0x2, s4;
	s4 =	sadd.s32 $0x61B800, s1;
	s6 =	sor.u32 s25, s24  }
0xb: {  	s9 =	sshrl.u32 s7, $0x1;
	s24 =	simm.s32 $0x15C00;
	s25 =	simm.s32 $0x11C00  }
0xc: {  	s5 =	sshrl.u32 s6, $0x3;
	s26 =	ssub.s32 s7, s9;
	s6 =	sadd.s32 s0, s6  }
0xd: {  	v2 =	vlaneseq.u32;
	s0 =	simm.s32 $0x14C00;
	s10 =	smul.u32 $0x180, s5;
	s5 =	sadd.s32 $0x494E00, s1  }
0xe: {  	vm0 =	vmmov $0xffff;
	v1 =	vshrl.u32 v2, $0x3;
	s7 =	sadd.s32 $0x6000, s6;
	s9 =	smax.u32 s26, $0x1;
	s26 =	simm.s32 $0x12400  }
0xf: {  	v0 =	vand.u32 $0x7, v2;
	v2 =	vor.u32 $0x8, v2;
	v1 =	vmul.u32 $0x8, v1;
	s1 =	simm.s32 $0x15400;
	s8 =	sadd.s32 s8, s10;
	s10 =	simm.s32 $0x17C00  }
.LBB2_1:
0x10: {  	s16 =	simm.s32 $0x400;
	s17 =	simm.s32 $0x8000  }
0x11: {  	[tilespmem:s2], [sflag:$0x3] =	stream.strided.gather [hbm4b:s6+s16], $0x1800, s17, s16, $0x38;
	[tilespmem:$0x19C00] =	vst v63  }
0x12: {  	s19 =	simm.s32 $0x1800  }
0x13: {  	[tilespmem:s19], [sflag:$0x3] =	stream.linear.gather [hbm4b:s7+s2], $0x100, $0x38;
	[tilespmem:$0x19C00] =	vst v63  }
0x14: {  	_ =	swait.ge [sflag:s13], $0x1900  }
0x15: {  	[sflag:s13] =	ssyncset.done $0x0  }
0x16: {  	[sflag:s13] =	ssyncadd.s32 $0xFFFFE700  }
0x17: {  	[tilespmem:s14], [sflag:$0x3] =	stream.linear.gather [hbm4b:s5+s2], $0xC000, $0x38;
	[tilespmem:$0x19C00] =	vst v63  }
0x18: {  	_ =	swait.ge [sflag:s13], $0xC000  }
0x19: {  	[sflag:s13] =	ssyncset.done $0x0  }
0x1a: {  	[sflag:s13] =	ssyncadd.s32 $0xFFFF4000  }
0x1b: {  	v3 =	vld [tilespmem:$0x0];
	_ =	sdelay $0x4  }
0x1c: {  	v4 =	vshrl.u32 v3, $0x3  }
0x1d: {  	v4 =	vmul.u32 $0x18, v4  }
0x1e: {  	v3 =	vand.u32 $0x7, v3  }
0x1f: {  	v3 =	vor.u32 v3, v4  }
0x20: {  	v4 =	vperm.xlane v3, v0;
	_ =	sdelay $0x1  }
0x21: {  	v3 =	vperm.xlane v3, v2;
	v4 =	vadd.s32 v1, v4;
	_ =	sdelay $0x1  }
0x22: {  	v3 =	vadd.s32 v1, v3;
	_ =	sdelay $0x1  }
0x23: {  	s20 =	simm.s32 $0xDC00  }
0x24: {  	[tilespmem:s20], [sflag:$0x1] =	stream.indirect_vreg.gather [hbm4b:s3+s2], $0x80, v4, vm0, $0xb8;
	[tilespmem:$0x19C00] =	vst v63  }
0x25: {  	s21 =	simm.s32 $0xE400  }
0x26: {  	[tilespmem:s21], [sflag:$0x1] =	stream.indirect_vreg.gather [hbm4b:s3+s2], $0x80, v3, vm0, $0xb8;
	[tilespmem:$0x19C00] =	vst v63  }
0x27: {  	v3 =	vld [tilespmem:$0x10];
	_ =	sdelay $0x4  }
0x28: {  	v61 =	vshrl.u32 v3, $0x3  }
0x29: {  	v4 =	vmul.u32 $0x18, v61  }
0x2a: {  	v3 =	vand.u32 $0x7, v3  }
0x2b: {  	v3 =	vor.u32 v3, v4  }
0x2c: {  	v4 =	vperm.xlane v3, v0;
	_ =	sdelay $0x1  }
0x2d: {  	v3 =	vperm.xlane v3, v2;
	v4 =	vadd.s32 v1, v4;
	_ =	sdelay $0x1  }
0x2e: {  	v3 =	vadd.s32 v1, v3;
	_ =	sdelay $0x1  }
0x2f: {  	s17 =	simm.s32 $0xEC00  }
0x30: {  	[tilespmem:s17], [sflag:$0x1] =	stream.indirect_vreg.gather [hbm4b:s3+s2], $0x80, v4, vm0, $0xb8;
	[tilespmem:$0x19C00] =	vst v63  }
0x31: {  	s18 =	simm.s32 $0xF400  }
0x32: {  	[tilespmem:s18], [sflag:$0x1] =	stream.indirect_vreg.gather [hbm4b:s3+s2], $0x80, v3, vm0, $0xb8;
	[tilespmem:$0x19C00] =	vst v63  }
0x33: {  	v3 =	vld [tilespmem:$0x20];
	_ =	sdelay $0x4  }
0x34: {  	v62 =	vshrl.u32 v3, $0x3  }
0x35: {  	v4 =	vmul.u32 $0x18, v62  }
0x36: {  	v3 =	vand.u32 $0x7, v3  }
0x37: {  	v3 =	vor.u32 v3, v4  }
0x38: {  	v4 =	vperm.xlane v3, v0;
	_ =	sdelay $0x1  }
0x39: {  	v3 =	vperm.xlane v3, v2;
	v4 =	vadd.s32 v1, v4;
	_ =	sdelay $0x1  }
0x3a: {  	v3 =	vadd.s32 v1, v3;
	_ =	sdelay $0x1  }
0x3b: {  	s19 =	simm.s32 $0xFC00  }
0x3c: {  	[tilespmem:s19], [sflag:$0x1] =	stream.indirect_vreg.gather [hbm4b:s3+s2], $0x80, v4, vm0, $0xb8;
	[tilespmem:$0x19C00] =	vst v63  }
0x3d: {  	s20 =	simm.s32 $0x10400  }
0x3e: {  	[tilespmem:s20], [sflag:$0x1] =	stream.indirect_vreg.gather [hbm4b:s3+s2], $0x80, v3, vm0, $0xb8;
	[tilespmem:$0x19C00] =	vst v63  }
0x3f: {  	v3 =	vld [tilespmem:$0x30];
	_ =	sdelay $0x4  }
0x40: {  	v63 =	vshrl.u32 v3, $0x3  }
0x41: {  	v4 =	vmul.u32 $0x18, v63  }
0x42: {  	v3 =	vand.u32 $0x7, v3  }
0x43: {  	v3 =	vor.u32 v3, v4  }
0x44: {  	v4 =	vperm.xlane v3, v0;
	_ =	sdelay $0x1  }
0x45: {  	v3 =	vperm.xlane v3, v2;
	v4 =	vadd.s32 v1, v4;
	_ =	sdelay $0x1  }
0x46: {  	v3 =	vadd.s32 v1, v3;
	_ =	sdelay $0x1  }
0x47: {  	s21 =	simm.s32 $0x10C00  }
0x48: {  	[tilespmem:s21], [sflag:$0x1] =	stream.indirect_vreg.gather [hbm4b:s3+s2], $0x80, v4, vm0, $0xb8;
	[tilespmem:$0x19C00] =	vst v63  }
0x49: {  	_ = 	snop  }
0x4a: {  	[tilespmem:s22], [sflag:$0x1] =	stream.indirect_vreg.gather [hbm4b:s3+s2], $0x80, v3, vm0, $0xb8;
	[tilespmem:$0x19C00] =	vst v63  }
0x4b: {  	s16 =	simm.s32 $0x0  }
0x4c: {  	[tilespmem:s24], [sflag:$0x1] =	stream.indirect.gather [hbm4b:s4+s23], $0x80, s2, s23, $0xb8;
	[tilespmem:$0x19C00] =	vst v63  }
.LBB2_2:
0x4d: {  	s17 =	sshll.u32 s16, $0x7  }
0x4e: {  	s17 =	sand.u32 $0x3FFFFF80, s17  }
0x4f: {  	v3 =	vld [tilespmem:s17+$0x40];
	_ =	sdelay $0x4  }
0x50: {  	v4 =	vshrl.u32 v3, $0x3  }
0x51: {  	v4 =	vmul.u32 $0x18, v4  }
0x52: {  	v3 =	vand.u32 $0x7, v3  }
0x53: {  	v3 =	vor.u32 v3, v4  }
0x54: {  	v4 =	vperm.xlane v3, v0;
	_ =	sdelay $0x1  }
0x55: {  	v3 =	vperm.xlane v3, v2;
	v4 =	vadd.s32 v1, v4;
	_ =	sdelay $0x1  }
0x56: {  	v3 =	vadd.s32 v1, v3;
	_ =	sdelay $0x1  }
0x57: {  	s18 =	simm.s32 $0x0  }
0x58: {  	[tilespmem:s25], [sflag:$0x2] =	stream.indirect_vreg.gather [hbm4b:s3+s18], $0x80, v4, vm0, $0xb8;
	[tilespmem:$0x19C00] =	vst v63  }
0x59: {  	_ = 	snop  }
0x5a: {  	[tilespmem:s26], [sflag:$0x2] =	stream.indirect_vreg.gather [hbm4b:s3+s18], $0x80, v3, vm0, $0xb8;
	[tilespmem:$0x19C00] =	vst v63  }
0x5b: {  	v3 =	vld [tilespmem:s17+$0x50];
	_ =	sdelay $0x4  }
0x5c: {  	v4 =	vshrl.u32 v3, $0x3  }
0x5d: {  	v4 =	vmul.u32 $0x18, v4  }
0x5e: {  	v3 =	vand.u32 $0x7, v3  }
0x5f: {  	v3 =	vor.u32 v3, v4  }
0x60: {  	v4 =	vperm.xlane v3, v0;
	_ =	sdelay $0x1  }
0x61: {  	v3 =	vperm.xlane v3, v2;
	v4 =	vadd.s32 v1, v4;
	_ =	sdelay $0x1  }
0x62: {  	v3 =	vadd.s32 v1, v3;
	_ =	sdelay $0x2  }
0x63: {  	[tilespmem:s28], [sflag:$0x2] =	stream.indirect_vreg.gather [hbm4b:s3+s18], $0x80, v4, vm0, $0xb8;
	[tilespmem:$0x19C00] =	vst v63  }
0x64: {  	_ = 	snop  }
0x65: {  	[tilespmem:s29], [sflag:$0x2] =	stream.indirect_vreg.gather [hbm4b:s3+s18], $0x80, v3, vm0, $0xb8;
	[tilespmem:$0x19C00] =	vst v63  }
0x66: {  	v3 =	vld [tilespmem:s17+$0x60];
	_ =	sdelay $0x4  }
0x67: {  	v4 =	vshrl.u32 v3, $0x3  }
0x68: {  	v4 =	vmul.u32 $0x18, v4  }
0x69: {  	v3 =	vand.u32 $0x7, v3  }
0x6a: {  	v3 =	vor.u32 v3, v4  }
0x6b: {  	v4 =	vperm.xlane v3, v0;
	_ =	sdelay $0x1  }
0x6c: {  	v3 =	vperm.xlane v3, v2;
	v4 =	vadd.s32 v1, v4;
	_ =	sdelay $0x1  }
0x6d: {  	v3 =	vadd.s32 v1, v3;
	_ =	sdelay $0x2  }
0x6e: {  	[tilespmem:s30], [sflag:$0x2] =	stream.indirect_vreg.gather [hbm4b:s3+s18], $0x80, v4, vm0, $0xb8;
	[tilespmem:$0x19C00] =	vst v63  }
0x6f: {  	_ = 	snop  }
0x70: {  	[tilespmem:s31], [sflag:$0x2] =	stream.indirect_vreg.gather [hbm4b:s3+s18], $0x80, v3, vm0, $0xb8;
	[tilespmem:$0x19C00] =	vst v63  }
0x71: {  	v3 =	vld [tilespmem:s17+$0x70];
	_ =	sdelay $0x4  }
0x72: {  	v4 =	vshrl.u32 v3, $0x3  }
0x73: {  	v4 =	vmul.u32 $0x18, v4  }
0x74: {  	v3 =	vand.u32 $0x7, v3  }
0x75: {  	v3 =	vor.u32 v3, v4  }
0x76: {  	v4 =	vperm.xlane v3, v0;
	_ =	sdelay $0x1  }
0x77: {  	v3 =	vperm.xlane v3, v2;
	v4 =	vadd.s32 v1, v4;
	_ =	sdelay $0x1  }
0x78: {  	v3 =	vadd.s32 v1, v3;
	_ =	sdelay $0x2  }
0x79: {  	[tilespmem:s0], [sflag:$0x2] =	stream.indirect_vreg.gather [hbm4b:s3+s18], $0x80, v4, vm0, $0xb8;
	[tilespmem:$0x19C00] =	vst v63  }
0x7a: {  	_ = 	snop  }
0x7b: {  	[tilespmem:s1], [sflag:$0x2] =	stream.indirect_vreg.gather [hbm4b:s3+s18], $0x80, v3, vm0, $0xb8;
	[tilespmem:$0x19C00] =	vst v63  }
0x7c: {  	s19 =	sor.u32 $0x40, s17  }
0x7d: {  	[tilespmem:s10], [sflag:$0x2] =	stream.indirect.gather [hbm4b:s4+s23], $0x80, s19, s23, $0xb8;
	[tilespmem:$0x19C00] =	vst v63  }
0x7e: {  	_ =	swait.ge [sflag:s11], $0x4000  }
0x7f: {  	[sflag:s11] =	ssyncset.done $0x0  }
0x80: {  	[sflag:s11] =	ssyncadd.s32 $0xFFFFC000  }
0x81: {  	_ =	swait.ge [sflag:s11], $0x2000  }
0x82: {  	s20 =	simm.s32 $0x0;
	[sflag:s11] =	ssyncset.done $0x0  }
0x83: {  	s19 =	sand.u32 $0x3FFFFF00, s20;
	[sflag:s11] =	ssyncadd.s32 $0xFFFFE000  }
0x84: {  	v3 =	vld [tilespmem:s19+$0xDF80]  }
0x85: {  	v4 =	vld [tilespmem:s19+$0xDC00]  }
0x86: {  	v5 =	vld [tilespmem:s19+$0xDC80]  }
0x87: {  	v6 =	vld [tilespmem:s19+$0xDD00]  }
0x88: {  	s21 =	simm.s32 $0x0;
	v7 =	vld [tilespmem:s19+$0xDD80]  }
0x89: {  	s18 =	smul.u32 $0x3000, s21;
	v8 =	vld [tilespmem:s19+$0xDE00]  }
0x8a: {  	v9 =	vld [tilespmem:s19+$0xDE80]  }
0x8b: {  	s18 =	sshra.s32 s18, $0x2;
	v10 =	vld [tilespmem:s19+$0xDF00]  }
0x8c: {  	[tilespmem:s18+$0x1F80] =	vst.add.f32.msk $0xffff, v3  }
0x8d: {  	[tilespmem:s18+$0x1C00] =	vst.add.f32.msk $0xffff, v4  }
0x8e: {  	[tilespmem:s18+$0x1C80] =	vst.add.f32.msk $0xffff, v5  }
0x8f: {  	[tilespmem:s18+$0x1D00] =	vst.add.f32.msk $0xffff, v6  }
0x90: {  	[tilespmem:s18+$0x1D80] =	vst.add.f32.msk $0xffff, v7  }
0x91: {  	[tilespmem:s18+$0x1E00] =	vst.add.f32.msk $0xffff, v8  }
0x92: {  	[tilespmem:s18+$0x1E80] =	vst.add.f32.msk $0xffff, v9  }
0x93: {  	[tilespmem:s18+$0x1F00] =	vst.add.f32.msk $0xffff, v10  }
0x94: {  	v3 =	vld [tilespmem:s19+$0xDF90]  }
0x95: {  	v4 =	vld [tilespmem:s19+$0xDC10]  }
0x96: {  	v5 =	vld [tilespmem:s19+$0xDC90]  }
0x97: {  	v6 =	vld [tilespmem:s19+$0xDD10]  }
0x98: {  	v7 =	vld [tilespmem:s19+$0xDD90]  }
0x99: {  	v8 =	vld [tilespmem:s19+$0xDE10]  }
0x9a: {  	v9 =	vld [tilespmem:s19+$0xDE90]  }
0x9b: {  	v10 =	vld [tilespmem:s19+$0xDF10]  }
0x9c: {  	[tilespmem:s18+$0x1F90] =	vst.add.f32.msk $0xffff, v3  }
0x9d: {  	[tilespmem:s18+$0x1C10] =	vst.add.f32.msk $0xffff, v4  }
0x9e: {  	[tilespmem:s18+$0x1C90] =	vst.add.f32.msk $0xffff, v5  }
0x9f: {  	[tilespmem:s18+$0x1D10] =	vst.add.f32.msk $0xffff, v6  }
0xa0: {  	[tilespmem:s18+$0x1D90] =	vst.add.f32.msk $0xffff, v7  }
0xa1: {  	[tilespmem:s18+$0x1E10] =	vst.add.f32.msk $0xffff, v8  }
0xa2: {  	[tilespmem:s18+$0x1E90] =	vst.add.f32.msk $0xffff, v9  }
0xa3: {  	[tilespmem:s18+$0x1F10] =	vst.add.f32.msk $0xffff, v10  }
0xa4: {  	v3 =	vld [tilespmem:s19+$0xDFA0]  }
0xa5: {  	v4 =	vld [tilespmem:s19+$0xDC20]  }
0xa6: {  	v5 =	vld [tilespmem:s19+$0xDCA0]  }
0xa7: {  	v6 =	vld [tilespmem:s19+$0xDD20]  }
0xa8: {  	v7 =	vld [tilespmem:s19+$0xDDA0]  }
0xa9: {  	v8 =	vld [tilespmem:s19+$0xDE20]  }
0xaa: {  	v9 =	vld [tilespmem:s19+$0xDEA0]  }
0xab: {  	v10 =	vld [tilespmem:s19+$0xDF20]  }
0xac: {  	[tilespmem:s18+$0x1FA0] =	vst.add.f32.msk $0xffff, v3  }
0xad: {  	[tilespmem:s18+$0x1C20] =	vst.add.f32.msk $0xffff, v4  }
0xae: {  	[tilespmem:s18+$0x1CA0] =	vst.add.f32.msk $0xffff, v5  }
0xaf: {  	[tilespmem:s18+$0x1D20] =	vst.add.f32.msk $0xffff, v6  }
0xb0: {  	[tilespmem:s18+$0x1DA0] =	vst.add.f32.msk $0xffff, v7  }
0xb1: {  	[tilespmem:s18+$0x1E20] =	vst.add.f32.msk $0xffff, v8  }
0xb2: {  	[tilespmem:s18+$0x1EA0] =	vst.add.f32.msk $0xffff, v9  }
0xb3: {  	[tilespmem:s18+$0x1F20] =	vst.add.f32.msk $0xffff, v10  }
0xb4: {  	v3 =	vld [tilespmem:s19+$0xDFB0]  }
0xb5: {  	v4 =	vld [tilespmem:s19+$0xDC30]  }
0xb6: {  	v5 =	vld [tilespmem:s19+$0xDCB0]  }
0xb7: {  	v6 =	vld [tilespmem:s19+$0xDD30]  }
0xb8: {  	v7 =	vld [tilespmem:s19+$0xDDB0]  }
0xb9: {  	v8 =	vld [tilespmem:s19+$0xDE30]  }
0xba: {  	v9 =	vld [tilespmem:s19+$0xDEB0]  }
0xbb: {  	v10 =	vld [tilespmem:s19+$0xDF30]  }
0xbc: {  	[tilespmem:s18+$0x1FB0] =	vst.add.f32.msk $0xffff, v3  }
0xbd: {  	[tilespmem:s18+$0x1C30] =	vst.add.f32.msk $0xffff, v4  }
0xbe: {  	[tilespmem:s18+$0x1CB0] =	vst.add.f32.msk $0xffff, v5  }
0xbf: {  	[tilespmem:s18+$0x1D30] =	vst.add.f32.msk $0xffff, v6  }
0xc0: {  	[tilespmem:s18+$0x1DB0] =	vst.add.f32.msk $0xffff, v7  }
0xc1: {  	[tilespmem:s18+$0x1E30] =	vst.add.f32.msk $0xffff, v8  }
0xc2: {  	[tilespmem:s18+$0x1EB0] =	vst.add.f32.msk $0xffff, v9  }
0xc3: {  	[tilespmem:s18+$0x1F30] =	vst.add.f32.msk $0xffff, v10  }
0xc4: {  	v3 =	vld [tilespmem:s19+$0xDFC0]  }
0xc5: {  	v4 =	vld [tilespmem:s19+$0xDC40]  }
0xc6: {  	v5 =	vld [tilespmem:s19+$0xDCC0]  }
0xc7: {  	v6 =	vld [tilespmem:s19+$0xDD40]  }
0xc8: {  	v7 =	vld [tilespmem:s19+$0xDDC0]  }
0xc9: {  	v8 =	vld [tilespmem:s19+$0xDE40]  }
0xca: {  	v9 =	vld [tilespmem:s19+$0xDEC0]  }
0xcb: {  	v10 =	vld [tilespmem:s19+$0xDF40]  }
0xcc: {  	[tilespmem:s18+$0x1FC0] =	vst.add.f32.msk $0xffff, v3  }
0xcd: {  	[tilespmem:s18+$0x1C40] =	vst.add.f32.msk $0xffff, v4  }
0xce: {  	[tilespmem:s18+$0x1CC0] =	vst.add.f32.msk $0xffff, v5  }
0xcf: {  	[tilespmem:s18+$0x1D40] =	vst.add.f32.msk $0xffff, v6  }
0xd0: {  	[tilespmem:s18+$0x1DC0] =	vst.add.f32.msk $0xffff, v7  }
0xd1: {  	[tilespmem:s18+$0x1E40] =	vst.add.f32.msk $0xffff, v8  }
0xd2: {  	[tilespmem:s18+$0x1EC0] =	vst.add.f32.msk $0xffff, v9  }
0xd3: {  	[tilespmem:s18+$0x1F40] =	vst.add.f32.msk $0xffff, v10  }
0xd4: {  	v3 =	vld [tilespmem:s19+$0xDFD0]  }
0xd5: {  	v4 =	vld [tilespmem:s19+$0xDC50]  }
0xd6: {  	v5 =	vld [tilespmem:s19+$0xDCD0]  }
0xd7: {  	v6 =	vld [tilespmem:s19+$0xDD50]  }
0xd8: {  	v7 =	vld [tilespmem:s19+$0xDDD0]  }
0xd9: {  	v8 =	vld [tilespmem:s19+$0xDE50]  }
0xda: {  	v9 =	vld [tilespmem:s19+$0xDED0]  }
0xdb: {  	[tilespmem:s18+$0x1FD0] =	vst.add.f32.msk $0xffff, v3  }
0xdc: {  	[tilespmem:s18+$0x1C50] =	vst.add.f32.msk $0xffff, v4  }
0xdd: {  	[tilespmem:s18+$0x1CD0] =	vst.add.f32.msk $0xffff, v5  }
0xde: {  	[tilespmem:s18+$0x1D50] =	vst.add.f32.msk $0xffff, v6  }
0xdf: {  	[tilespmem:s18+$0x1DD0] =	vst.add.f32.msk $0xffff, v7  }
0xe0: {  	[tilespmem:s18+$0x1E50] =	vst.add.f32.msk $0xffff, v8  }
0xe1: {  	[tilespmem:s18+$0x1ED0] =	vst.add.f32.msk $0xffff, v9  }
0xe2: {  	v3 =	vld [tilespmem:s19+$0xDFE0]  }
0xe3: {  	v4 =	vld [tilespmem:s19+$0xDCE0]  }
0xe4: {  	v5 =	vld [tilespmem:s19+$0xDD60]  }
0xe5: {  	v6 =	vld [tilespmem:s19+$0xDDE0]  }
0xe6: {  	v7 =	vld [tilespmem:s19+$0xDE60]  }
0xe7: {  	v60 =	vld [tilespmem:s19+$0xDEE0]  }
0xe8: {  	[tilespmem:s18+$0x1FE0] =	vst.add.f32.msk $0xffff, v3  }
0xe9: {  	[tilespmem:s18+$0x1CE0] =	vst.add.f32.msk $0xffff, v4  }
0xea: {  	[tilespmem:s18+$0x1D60] =	vst.add.f32.msk $0xffff, v5  }
0xeb: {  	[tilespmem:s18+$0x1DE0] =	vst.add.f32.msk $0xffff, v6  }
0xec: {  	[tilespmem:s18+$0x1E60] =	vst.add.f32.msk $0xffff, v7  }
0xed: {  	[tilespmem:s18+$0x1EE0] =	vst.add.f32.msk $0xffff, v60  }
0xee: {  	v3 =	vld [tilespmem:s19+$0xDFF0]  }
0xef: {  	v4 =	vld [tilespmem:s19+$0xDCF0]  }
0xf0: {  	v5 =	vld [tilespmem:s19+$0xDD70]  }
0xf1: {  	v6 =	vld [tilespmem:s19+$0xDDF0]  }
0xf2: {  	v7 =	vld [tilespmem:s19+$0xDE70]  }
0xf3: {  	v8 =	vld [tilespmem:s19+$0xDEF0]  }
0xf4: {  	[tilespmem:s18+$0x1FF0] =	vst.add.f32.msk $0xffff, v3  }
0xf5: {  	[tilespmem:s18+$0x1CF0] =	vst.add.f32.msk $0xffff, v4  }
0xf6: {  	[tilespmem:s18+$0x1D70] =	vst.add.f32.msk $0xffff, v5  }
0xf7: {  	[tilespmem:s18+$0x1DF0] =	vst.add.f32.msk $0xffff, v6  }
0xf8: {  	[tilespmem:s18+$0x1E70] =	vst.add.f32.msk $0xffff, v7  }
0xf9: {  	[tilespmem:s18+$0x1EF0] =	vst.add.f32.msk $0xffff, v8  }
0xfa: {  	v3 =	vld [tilespmem:s19+$0xE380]  }
0xfb: {  	v4 =	vld [tilespmem:s19+$0xE080]  }
0xfc: {  	v5 =	vld [tilespmem:s19+$0xE100]  }
0xfd: {  	v6 =	vld [tilespmem:s19+$0xE180]  }
0xfe: {  	v7 =	vld [tilespmem:s19+$0xE200]  }
0xff: {  	v8 =	vld [tilespmem:s19+$0xE280]  }
0x100: {  	[tilespmem:s18+$0x2380] =	vst.add.f32.msk $0xffff, v3  }
0x101: {  	[tilespmem:s18+$0x2080] =	vst.add.f32.msk $0xffff, v4  }
0x102: {  	[tilespmem:s18+$0x2100] =	vst.add.f32.msk $0xffff, v5  }
0x103: {  	[tilespmem:s18+$0x2180] =	vst.add.f32.msk $0xffff, v6  }
0x104: {  	[tilespmem:s18+$0x2200] =	vst.add.f32.msk $0xffff, v7  }
0x105: {  	[tilespmem:s18+$0x2280] =	vst.add.f32.msk $0xffff, v8  }
0x106: {  	v3 =	vld [tilespmem:s19+$0xE390]  }
0x107: {  	v4 =	vld [tilespmem:s19+$0xE090]  }
0x108: {  	v5 =	vld [tilespmem:s19+$0xE110]  }
0x109: {  	v6 =	vld [tilespmem:s19+$0xE190]  }
0x10a: {  	v7 =	vld [tilespmem:s19+$0xE210]  }
0x10b: {  	v8 =	vld [tilespmem:s19+$0xE290]  }
0x10c: {  	[tilespmem:s18+$0x2390] =	vst.add.f32.msk $0xffff, v3  }
0x10d: {  	[tilespmem:s18+$0x2090] =	vst.add.f32.msk $0xffff, v4  }
0x10e: {  	[tilespmem:s18+$0x2110] =	vst.add.f32.msk $0xffff, v5  }
0x10f: {  	[tilespmem:s18+$0x2190] =	vst.add.f32.msk $0xffff, v6  }
0x110: {  	[tilespmem:s18+$0x2210] =	vst.add.f32.msk $0xffff, v7  }
0x111: {  	[tilespmem:s18+$0x2290] =	vst.add.f32.msk $0xffff, v8  }
0x112: {  	v3 =	vld [tilespmem:s19+$0xE3A0]  }
0x113: {  	v4 =	vld [tilespmem:s19+$0xE0A0]  }
0x114: {  	v5 =	vld [tilespmem:s19+$0xE120]  }
0x115: {  	v6 =	vld [tilespmem:s19+$0xE1A0]  }
0x116: {  	v7 =	vld [tilespmem:s19+$0xE220]  }
0x117: {  	v8 =	vld [tilespmem:s19+$0xE2A0]  }
0x118: {  	[tilespmem:s18+$0x23A0] =	vst.add.f32.msk $0xffff, v3  }
0x119: {  	[tilespmem:s18+$0x20A0] =	vst.add.f32.msk $0xffff, v4  }
0x11a: {  	[tilespmem:s18+$0x2120] =	vst.add.f32.msk $0xffff, v5  }
0x11b: {  	[tilespmem:s18+$0x21A0] =	vst.add.f32.msk $0xffff, v6  }
0x11c: {  	[tilespmem:s18+$0x2220] =	vst.add.f32.msk $0xffff, v7  }
0x11d: {  	[tilespmem:s18+$0x22A0] =	vst.add.f32.msk $0xffff, v8  }
0x11e: {  	v3 =	vld [tilespmem:s19+$0xE3B0]  }
0x11f: {  	v4 =	vld [tilespmem:s19+$0xE0B0]  }
0x120: {  	v5 =	vld [tilespmem:s19+$0xE130]  }
0x121: {  	v6 =	vld [tilespmem:s19+$0xE1B0]  }
0x122: {  	v7 =	vld [tilespmem:s19+$0xE230]  }
0x123: {  	v8 =	vld [tilespmem:s19+$0xE2B0]  }
0x124: {  	[tilespmem:s18+$0x23B0] =	vst.add.f32.msk $0xffff, v3  }
0x125: {  	[tilespmem:s18+$0x20B0] =	vst.add.f32.msk $0xffff, v4  }
0x126: {  	[tilespmem:s18+$0x2130] =	vst.add.f32.msk $0xffff, v5  }
0x127: {  	[tilespmem:s18+$0x21B0] =	vst.add.f32.msk $0xffff, v6  }
0x128: {  	[tilespmem:s18+$0x2230] =	vst.add.f32.msk $0xffff, v7  }
0x129: {  	[tilespmem:s18+$0x22B0] =	vst.add.f32.msk $0xffff, v8  }
0x12a: {  	v3 =	vld [tilespmem:s19+$0xE3C0]  }
0x12b: {  	v4 =	vld [tilespmem:s19+$0xE0C0]  }
0x12c: {  	v5 =	vld [tilespmem:s19+$0xE140]  }
0x12d: {  	v6 =	vld [tilespmem:s19+$0xE1C0]  }
0x12e: {  	v7 =	vld [tilespmem:s19+$0xE240]  }
0x12f: {  	v8 =	vld [tilespmem:s19+$0xE2C0]  }
0x130: {  	[tilespmem:s18+$0x23C0] =	vst.add.f32.msk $0xffff, v3  }
0x131: {  	[tilespmem:s18+$0x20C0] =	vst.add.f32.msk $0xffff, v4  }
0x132: {  	[tilespmem:s18+$0x2140] =	vst.add.f32.msk $0xffff, v5  }
0x133: {  	[tilespmem:s18+$0x21C0] =	vst.add.f32.msk $0xffff, v6  }
0x134: {  	[tilespmem:s18+$0x2240] =	vst.add.f32.msk $0xffff, v7  }
0x135: {  	[tilespmem:s18+$0x22C0] =	vst.add.f32.msk $0xffff, v8  }
0x136: {  	v3 =	vld [tilespmem:s19+$0xE3D0]  }
0x137: {  	v4 =	vld [tilespmem:s19+$0xE0D0]  }
0x138: {  	v5 =	vld [tilespmem:s19+$0xE150]  }
0x139: {  	v6 =	vld [tilespmem:s19+$0xE1D0]  }
0x13a: {  	v7 =	vld [tilespmem:s19+$0xE250]  }
0x13b: {  	v8 =	vld [tilespmem:s19+$0xE2D0]  }
0x13c: {  	[tilespmem:s18+$0x23D0] =	vst.add.f32.msk $0xffff, v3  }
0x13d: {  	[tilespmem:s18+$0x20D0] =	vst.add.f32.msk $0xffff, v4  }
0x13e: {  	[tilespmem:s18+$0x2150] =	vst.add.f32.msk $0xffff, v5  }
0x13f: {  	[tilespmem:s18+$0x21D0] =	vst.add.f32.msk $0xffff, v6  }
0x140: {  	v3 =	vld [tilespmem:s19+$0xE3E0]  }
0x141: {  	[tilespmem:s18+$0x2250] =	vst.add.f32.msk $0xffff, v7  }
0x142: {  	[tilespmem:s18+$0x22D0] =	vst.add.f32.msk $0xffff, v8  }
0x143: {  	v4 =	vld [tilespmem:s19+$0xE0E0]  }
0x144: {  	v5 =	vld [tilespmem:s19+$0xE160]  }
0x145: {  	[tilespmem:s18+$0x23E0] =	vst.add.f32.msk $0xffff, v3  }
0x146: {  	v3 =	vld [tilespmem:s19+$0xE3F0]  }
0x147: {  	v6 =	vld [tilespmem:s19+$0xE1E0]  }
0x148: {  	v7 =	vld [tilespmem:s19+$0xE260]  }
0x149: {  	v8 =	vld [tilespmem:s19+$0xE2E0]  }
0x14a: {  	s20 =	simm.s32 $0x0;
	[tilespmem:s18+$0x20E0] =	vst.add.f32.msk $0xffff, v4  }
0x14b: {  	s20 =	sand.u32 $0x3FFFFF80, s20;
	[tilespmem:s18+$0x23F0] =	vst.add.f32.msk $0xffff, v3  }
0x14c: {  	v3 =	vld [tilespmem:s20+$0x15F80]  }
0x14d: {  	[tilespmem:s18+$0x2160] =	vst.add.f32.msk $0xffff, v5  }
0x14e: {  	[tilespmem:s18+$0x21E0] =	vst.add.f32.msk $0xffff, v6  }
0x14f: {  	[tilespmem:s18+$0x2260] =	vst.add.f32.msk $0xffff, v7  }
0x150: {  	[tilespmem:s18+$0x22E0] =	vst.add.f32.msk $0xffff, v8  }
0x151: {  	[tilespmem:s18+$0x2780] =	vst.add.f32.msk $0xffff, v3  }
0x152: {  	v3 =	vld [tilespmem:s20+$0x15F90]  }
0x153: {  	v4 =	vld [tilespmem:s19+$0xE0F0]  }
0x154: {  	v5 =	vld [tilespmem:s19+$0xE170]  }
0x155: {  	v6 =	vld [tilespmem:s19+$0xE1F0]  }
0x156: {  	v7 =	vld [tilespmem:s19+$0xE270]  }
0x157: {  	[tilespmem:s18+$0x2790] =	vst.add.f32.msk $0xffff, v3  }
0x158: {  	v3 =	vld [tilespmem:s20+$0x15FA0]  }
0x159: {  	v8 =	vld [tilespmem:s19+$0xE2F0]  }
0x15a: {  	[tilespmem:s18+$0x20F0] =	vst.add.f32.msk $0xffff, v4  }
0x15b: {  	[tilespmem:s18+$0x2170] =	vst.add.f32.msk $0xffff, v5  }
0x15c: {  	[tilespmem:s18+$0x21F0] =	vst.add.f32.msk $0xffff, v6  }
0x15d: {  	[tilespmem:s18+$0x27A0] =	vst.add.f32.msk $0xffff, v3  }
0x15e: {  	v3 =	vld [tilespmem:s19+$0xDF50]  }
0x15f: {  	[tilespmem:s18+$0x2270] =	vst.add.f32.msk $0xffff, v7  }
0x160: {  	[tilespmem:s18+$0x22F0] =	vst.add.f32.msk $0xffff, v8  }
0x161: {  	v4 =	vld [tilespmem:s20+$0x15C80]  }
0x162: {  	v5 =	vld [tilespmem:s20+$0x15D00]  }
0x163: {  	[tilespmem:s18+$0x1F50] =	vst.add.f32.msk $0xffff, v3  }
0x164: {  	v3 =	vld [tilespmem:s19+$0xDC60]  }
0x165: {  	v6 =	vld [tilespmem:s20+$0x15D80]  }
0x166: {  	v61 =	vld [tilespmem:s19+$0xDF60]  }
0x167: {  	v7 =	vld [tilespmem:s20+$0x15E00]  }
0x168: {  	v8 =	vld [tilespmem:s20+$0x15E80]  }
0x169: {  	[tilespmem:s18+$0x1C60] =	vst.add.f32.msk $0xffff, v3  }
0x16a: {  	v3 =	vld [tilespmem:s19+$0xDC70]  }
0x16b: {  	[tilespmem:s18+$0x1F60] =	vst.add.f32.msk $0xffff, v61  }
0x16c: {  	v9 =	vld [tilespmem:s19+$0xDF70]  }
0x16d: {  	[tilespmem:s18+$0x2480] =	vst.add.f32.msk $0xffff, v4  }
0x16e: {  	[tilespmem:s18+$0x2500] =	vst.add.f32.msk $0xffff, v5  }
0x16f: {  	[tilespmem:s18+$0x1C70] =	vst.add.f32.msk $0xffff, v3  }
0x170: {  	v3 =	vld [tilespmem:s19+$0xE000]  }
0x171: {  	[tilespmem:s18+$0x1F70] =	vst.add.f32.msk $0xffff, v9  }
0x172: {  	v9 =	vld [tilespmem:s19+$0xE300]  }
0x173: {  	[tilespmem:s18+$0x2580] =	vst.add.f32.msk $0xffff, v6  }
0x174: {  	[tilespmem:s18+$0x2600] =	vst.add.f32.msk $0xffff, v7  }
0x175: {  	[tilespmem:s18+$0x2000] =	vst.add.f32.msk $0xffff, v3  }
0x176: {  	v3 =	vld [tilespmem:s19+$0xE010]  }
0x177: {  	[tilespmem:s18+$0x2300] =	vst.add.f32.msk $0xffff, v9  }
0x178: {  	v9 =	vld [tilespmem:s19+$0xE310]  }
0x179: {  	[tilespmem:s18+$0x2680] =	vst.add.f32.msk $0xffff, v8  }
0x17a: {  	v4 =	vld [tilespmem:s20+$0x15C90]  }
0x17b: {  	[tilespmem:s18+$0x2010] =	vst.add.f32.msk $0xffff, v3  }
0x17c: {  	v3 =	vld [tilespmem:s19+$0xE020]  }
0x17d: {  	[tilespmem:s18+$0x2310] =	vst.add.f32.msk $0xffff, v9  }
0x17e: {  	v9 =	vld [tilespmem:s19+$0xE320]  }
0x17f: {  	v5 =	vld [tilespmem:s20+$0x15D10]  }
0x180: {  	v6 =	vld [tilespmem:s20+$0x15D90]  }
0x181: {  	[tilespmem:s18+$0x2020] =	vst.add.f32.msk $0xffff, v3  }
0x182: {  	v3 =	vld [tilespmem:s19+$0xE030]  }
0x183: {  	[tilespmem:s18+$0x2320] =	vst.add.f32.msk $0xffff, v9  }
0x184: {  	v9 =	vld [tilespmem:s19+$0xE330]  }
0x185: {  	v7 =	vld [tilespmem:s20+$0x15E10]  }
0x186: {  	v8 =	vld [tilespmem:s20+$0x15E90]  }
0x187: {  	[tilespmem:s18+$0x2030] =	vst.add.f32.msk $0xffff, v3  }
0x188: {  	v3 =	vld [tilespmem:s19+$0xE040]  }
0x189: {  	[tilespmem:s18+$0x2330] =	vst.add.f32.msk $0xffff, v9  }
0x18a: {  	v9 =	vld [tilespmem:s19+$0xE340]  }
0x18b: {  	[tilespmem:s18+$0x2490] =	vst.add.f32.msk $0xffff, v4  }
0x18c: {  	[tilespmem:s18+$0x2510] =	vst.add.f32.msk $0xffff, v5  }
0x18d: {  	[tilespmem:s18+$0x2040] =	vst.add.f32.msk $0xffff, v3  }
0x18e: {  	v3 =	vld [tilespmem:s19+$0xE050]  }
0x18f: {  	[tilespmem:s18+$0x2340] =	vst.add.f32.msk $0xffff, v9  }
0x190: {  	v9 =	vld [tilespmem:s19+$0xE350]  }
0x191: {  	[tilespmem:s18+$0x2590] =	vst.add.f32.msk $0xffff, v6  }
0x192: {  	[tilespmem:s18+$0x2610] =	vst.add.f32.msk $0xffff, v7  }
0x193: {  	[tilespmem:s18+$0x2050] =	vst.add.f32.msk $0xffff, v3  }
0x194: {  	v3 =	vld [tilespmem:s19+$0xE060]  }
0x195: {  	[tilespmem:s18+$0x2350] =	vst.add.f32.msk $0xffff, v9  }
0x196: {  	v9 =	vld [tilespmem:s19+$0xE360]  }
0x197: {  	[tilespmem:s18+$0x2690] =	vst.add.f32.msk $0xffff, v8  }
0x198: {  	v6 =	vld [tilespmem:s20+$0x15CA0]  }
0x199: {  	[tilespmem:s18+$0x2060] =	vst.add.f32.msk $0xffff, v3  }
0x19a: {  	v3 =	vld [tilespmem:s19+$0xE070]  }
0x19b: {  	[tilespmem:s18+$0x2360] =	vst.add.f32.msk $0xffff, v9  }
0x19c: {  	v9 =	vld [tilespmem:s19+$0xE370]  }
0x19d: {  	v7 =	vld [tilespmem:s20+$0x15D20]  }
0x19e: {  	v62 =	vld [tilespmem:s20+$0x15DA0]  }
0x19f: {  	[tilespmem:s18+$0x2070] =	vst.add.f32.msk $0xffff, v3  }
0x1a0: {  	v3 =	vld [tilespmem:s20+$0x15C00]  }
0x1a1: {  	[tilespmem:s18+$0x2370] =	vst.add.f32.msk $0xffff, v9  }
0x1a2: {  	v9 =	vld [tilespmem:s20+$0x15F00]  }
0x1a3: {  	v63 =	vld [tilespmem:s20+$0x15E20]  }
0x1a4: {  	v4 =	vld [tilespmem:s20+$0x15EA0]  }
0x1a5: {  	[tilespmem:s18+$0x2400] =	vst.add.f32.msk $0xffff, v3  }
0x1a6: {  	v3 =	vld [tilespmem:s20+$0x15C10]  }
0x1a7: {  	[tilespmem:s18+$0x2700] =	vst.add.f32.msk $0xffff, v9  }
0x1a8: {  	v9 =	vld [tilespmem:s20+$0x15F10]  }
0x1a9: {  	[tilespmem:s18+$0x24A0] =	vst.add.f32.msk $0xffff, v6  }
0x1aa: {  	[tilespmem:s18+$0x2520] =	vst.add.f32.msk $0xffff, v7  }
0x1ab: {  	[tilespmem:s18+$0x2410] =	vst.add.f32.msk $0xffff, v3  }
0x1ac: {  	v5 =	vld [tilespmem:s20+$0x15C20]  }
0x1ad: {  	[tilespmem:s18+$0x2710] =	vst.add.f32.msk $0xffff, v9  }
0x1ae: {  	v3 =	vld [tilespmem:s20+$0x15F20]  }
0x1af: {  	[tilespmem:s18+$0x25A0] =	vst.add.f32.msk $0xffff, v62  }
0x1b0: {  	[tilespmem:s18+$0x2620] =	vst.add.f32.msk $0xffff, v63  }
0x1b1: {  	s19 =	simm.s32 $0x8;
	[tilespmem:s18+$0x2420] =	vst.add.f32.msk $0xffff, v5  }
.LBB2_3:
0x1b2: {  	s20 =	sshll.u32 s19, $0x8;
	p0 =	slt.u32 s19, $0x38;
	[tilespmem:s18+$0x26A0] =	vst.add.f32.msk $0xffff, v4  }
0x1b3: {  	s20 =	sand.u32 $0x3FFFFF00, s20;
	[tilespmem:s18+$0x2720] =	vst.add.f32.msk $0xffff, v3  }
0x1b4: {  	v3 =	vld [tilespmem:s20+$0xDF80]  }
0x1b5: {  	s18 =	sshrl.u32 s19, $0x3;
	v4 =	vld [tilespmem:s20+$0xDC00]  }
0x1b6: {  	s18 =	smul.u32 $0x3000, s18;
	v5 =	vld [tilespmem:s20+$0xDC80]  }
0x1b7: {  	v6 =	vld [tilespmem:s20+$0xDD00]  }
0x1b8: {  	s18 =	sshra.s32 s18, $0x2;
	v7 =	vld [tilespmem:s20+$0xDD80]  }
0x1b9: {  	[tilespmem:s18+$0x1F80] =	vst.add.f32.msk $0xffff, v3  }
0x1ba: {  	v3 =	vld [tilespmem:s20+$0xDF90]  }
0x1bb: {  	v8 =	vld [tilespmem:s20+$0xDE00]  }
0x1bc: {  	v9 =	vld [tilespmem:s20+$0xDE80]  }
0x1bd: {  	v10 =	vld [tilespmem:s20+$0xDF00]  }
0x1be: {  	[tilespmem:s18+$0x1C00] =	vst.add.f32.msk $0xffff, v4  }
0x1bf: {  	[tilespmem:s18+$0x1F90] =	vst.add.f32.msk $0xffff, v3  }
0x1c0: {  	v3 =	vld [tilespmem:s20+$0xDFA0]  }
0x1c1: {  	[tilespmem:s18+$0x1C80] =	vst.add.f32.msk $0xffff, v5  }
0x1c2: {  	[tilespmem:s18+$0x1D00] =	vst.add.f32.msk $0xffff, v6  }
0x1c3: {  	[tilespmem:s18+$0x1D80] =	vst.add.f32.msk $0xffff, v7  }
0x1c4: {  	[tilespmem:s18+$0x1E00] =	vst.add.f32.msk $0xffff, v8  }
0x1c5: {  	[tilespmem:s18+$0x1FA0] =	vst.add.f32.msk $0xffff, v3  }
0x1c6: {  	v3 =	vld [tilespmem:s20+$0xDFB0]  }
0x1c7: {  	[tilespmem:s18+$0x1E80] =	vst.add.f32.msk $0xffff, v9  }
0x1c8: {  	[tilespmem:s18+$0x1F00] =	vst.add.f32.msk $0xffff, v10  }
0x1c9: {  	v4 =	vld [tilespmem:s20+$0xDC10]  }
0x1ca: {  	v5 =	vld [tilespmem:s20+$0xDC90]  }
0x1cb: {  	[tilespmem:s18+$0x1FB0] =	vst.add.f32.msk $0xffff, v3  }
0x1cc: {  	v3 =	vld [tilespmem:s20+$0xDFC0]  }
0x1cd: {  	v6 =	vld [tilespmem:s20+$0xDD10]  }
0x1ce: {  	v7 =	vld [tilespmem:s20+$0xDD90]  }
0x1cf: {  	v8 =	vld [tilespmem:s20+$0xDE10]  }
0x1d0: {  	v9 =	vld [tilespmem:s20+$0xDE90]  }
0x1d1: {  	[tilespmem:s18+$0x1FC0] =	vst.add.f32.msk $0xffff, v3  }
0x1d2: {  	v3 =	vld [tilespmem:s20+$0xDFD0]  }
0x1d3: {  	v10 =	vld [tilespmem:s20+$0xDF10]  }
0x1d4: {  	[tilespmem:s18+$0x1C10] =	vst.add.f32.msk $0xffff, v4  }
0x1d5: {  	[tilespmem:s18+$0x1C90] =	vst.add.f32.msk $0xffff, v5  }
0x1d6: {  	[tilespmem:s18+$0x1D10] =	vst.add.f32.msk $0xffff, v6  }
0x1d7: {  	[tilespmem:s18+$0x1FD0] =	vst.add.f32.msk $0xffff, v3  }
0x1d8: {  	v3 =	vld [tilespmem:s20+$0xDFE0]  }
0x1d9: {  	[tilespmem:s18+$0x1D90] =	vst.add.f32.msk $0xffff, v7  }
0x1da: {  	[tilespmem:s18+$0x1E10] =	vst.add.f32.msk $0xffff, v8  }
0x1db: {  	[tilespmem:s18+$0x1E90] =	vst.add.f32.msk $0xffff, v9  }
0x1dc: {  	[tilespmem:s18+$0x1F10] =	vst.add.f32.msk $0xffff, v10  }
0x1dd: {  	[tilespmem:s18+$0x1FE0] =	vst.add.f32.msk $0xffff, v3  }
0x1de: {  	v3 =	vld [tilespmem:s20+$0xDFF0]  }
0x1df: {  	v4 =	vld [tilespmem:s20+$0xDC20]  }
0x1e0: {  	v5 =	vld [tilespmem:s20+$0xDCA0]  }
0x1e1: {  	v6 =	vld [tilespmem:s20+$0xDD20]  }
0x1e2: {  	v7 =	vld [tilespmem:s20+$0xDDA0]  }
0x1e3: {  	[tilespmem:s18+$0x1FF0] =	vst.add.f32.msk $0xffff, v3  }
0x1e4: {  	v3 =	vld [tilespmem:s20+$0xE380]  }
0x1e5: {  	v8 =	vld [tilespmem:s20+$0xDE20]  }
0x1e6: {  	v9 =	vld [tilespmem:s20+$0xDEA0]  }
0x1e7: {  	v10 =	vld [tilespmem:s20+$0xDF20]  }
0x1e8: {  	[tilespmem:s18+$0x1C20] =	vst.add.f32.msk $0xffff, v4  }
0x1e9: {  	[tilespmem:s18+$0x2380] =	vst.add.f32.msk $0xffff, v3  }
0x1ea: {  	v3 =	vld [tilespmem:s20+$0xE390]  }
0x1eb: {  	[tilespmem:s18+$0x1CA0] =	vst.add.f32.msk $0xffff, v5  }
0x1ec: {  	[tilespmem:s18+$0x1D20] =	vst.add.f32.msk $0xffff, v6  }
0x1ed: {  	[tilespmem:s18+$0x1DA0] =	vst.add.f32.msk $0xffff, v7  }
0x1ee: {  	[tilespmem:s18+$0x1E20] =	vst.add.f32.msk $0xffff, v8  }
0x1ef: {  	[tilespmem:s18+$0x2390] =	vst.add.f32.msk $0xffff, v3  }
0x1f0: {  	v3 =	vld [tilespmem:s20+$0xE3A0]  }
0x1f1: {  	[tilespmem:s18+$0x1EA0] =	vst.add.f32.msk $0xffff, v9  }
0x1f2: {  	[tilespmem:s18+$0x1F20] =	vst.add.f32.msk $0xffff, v10  }
0x1f3: {  	v4 =	vld [tilespmem:s20+$0xDC30]  }
0x1f4: {  	v5 =	vld [tilespmem:s20+$0xDCB0]  }
0x1f5: {  	[tilespmem:s18+$0x23A0] =	vst.add.f32.msk $0xffff, v3  }
0x1f6: {  	v3 =	vld [tilespmem:s20+$0xE3B0]  }
0x1f7: {  	v6 =	vld [tilespmem:s20+$0xDD30]  }
0x1f8: {  	v7 =	vld [tilespmem:s20+$0xDDB0]  }
0x1f9: {  	v8 =	vld [tilespmem:s20+$0xDE30]  }
0x1fa: {  	v9 =	vld [tilespmem:s20+$0xDEB0]  }
0x1fb: {  	[tilespmem:s18+$0x23B0] =	vst.add.f32.msk $0xffff, v3  }
0x1fc: {  	v3 =	vld [tilespmem:s20+$0xE3C0]  }
0x1fd: {  	v10 =	vld [tilespmem:s20+$0xDF30]  }
0x1fe: {  	[tilespmem:s18+$0x1C30] =	vst.add.f32.msk $0xffff, v4  }
0x1ff: {  	[tilespmem:s18+$0x1CB0] =	vst.add.f32.msk $0xffff, v5  }
0x200: {  	[tilespmem:s18+$0x1D30] =	vst.add.f32.msk $0xffff, v6  }
0x201: {  	[tilespmem:s18+$0x23C0] =	vst.add.f32.msk $0xffff, v3  }
0x202: {  	v3 =	vld [tilespmem:s20+$0xE3D0]  }
0x203: {  	[tilespmem:s18+$0x1DB0] =	vst.add.f32.msk $0xffff, v7  }
0x204: {  	[tilespmem:s18+$0x1E30] =	vst.add.f32.msk $0xffff, v8  }
0x205: {  	[tilespmem:s18+$0x1EB0] =	vst.add.f32.msk $0xffff, v9  }
0x206: {  	[tilespmem:s18+$0x1F30] =	vst.add.f32.msk $0xffff, v10  }
0x207: {  	[tilespmem:s18+$0x23D0] =	vst.add.f32.msk $0xffff, v3  }
0x208: {  	v3 =	vld [tilespmem:s20+$0xE3E0]  }
0x209: {  	v4 =	vld [tilespmem:s20+$0xDC40]  }
0x20a: {  	v5 =	vld [tilespmem:s20+$0xDCC0]  }
0x20b: {  	v6 =	vld [tilespmem:s20+$0xDD40]  }
0x20c: {  	v7 =	vld [tilespmem:s20+$0xDDC0]  }
0x20d: {  	[tilespmem:s18+$0x23E0] =	vst.add.f32.msk $0xffff, v3  }
0x20e: {  	v3 =	vld [tilespmem:s20+$0xE3F0]  }
0x20f: {  	v8 =	vld [tilespmem:s20+$0xDE40]  }
0x210: {  	v9 =	vld [tilespmem:s20+$0xDEC0]  }
0x211: {  	v10 =	vld [tilespmem:s20+$0xDF40]  }
0x212: {  	s21 =	sshll.u32 s19, $0x7;
	[tilespmem:s18+$0x1C40] =	vst.add.f32.msk $0xffff, v4  }
0x213: {  	s21 =	sand.u32 $0x3FFFFF80, s21;
	[tilespmem:s18+$0x23F0] =	vst.add.f32.msk $0xffff, v3  }
0x214: {  	v3 =	vld [tilespmem:s21+$0x15F80]  }
0x215: {  	[tilespmem:s18+$0x1CC0] =	vst.add.f32.msk $0xffff, v5  }
0x216: {  	[tilespmem:s18+$0x1D40] =	vst.add.f32.msk $0xffff, v6  }
0x217: {  	[tilespmem:s18+$0x1DC0] =	vst.add.f32.msk $0xffff, v7  }
0x218: {  	[tilespmem:s18+$0x1E40] =	vst.add.f32.msk $0xffff, v8  }
0x219: {  	[tilespmem:s18+$0x2780] =	vst.add.f32.msk $0xffff, v3  }
0x21a: {  	v3 =	vld [tilespmem:s21+$0x15F90]  }
0x21b: {  	[tilespmem:s18+$0x1EC0] =	vst.add.f32.msk $0xffff, v9  }
0x21c: {  	[tilespmem:s18+$0x1F40] =	vst.add.f32.msk $0xffff, v10  }
0x21d: {  	v4 =	vld [tilespmem:s20+$0xDC50]  }
0x21e: {  	v5 =	vld [tilespmem:s20+$0xDCD0]  }
0x21f: {  	[tilespmem:s18+$0x2790] =	vst.add.f32.msk $0xffff, v3  }
0x220: {  	v3 =	vld [tilespmem:s21+$0x15FA0]  }
0x221: {  	v6 =	vld [tilespmem:s20+$0xDD50]  }
0x222: {  	v7 =	vld [tilespmem:s20+$0xDDD0]  }
0x223: {  	v8 =	vld [tilespmem:s20+$0xDE50]  }
0x224: {  	v9 =	vld [tilespmem:s20+$0xDED0]  }
0x225: {  	[tilespmem:s18+$0x27A0] =	vst.add.f32.msk $0xffff, v3  }
0x226: {  	v3 =	vld [tilespmem:s20+$0xDF50]  }
0x227: {  	[tilespmem:s18+$0x1C50] =	vst.add.f32.msk $0xffff, v4  }
0x228: {  	[tilespmem:s18+$0x1CD0] =	vst.add.f32.msk $0xffff, v5  }
0x229: {  	[tilespmem:s18+$0x1D50] =	vst.add.f32.msk $0xffff, v6  }
0x22a: {  	[tilespmem:s18+$0x1DD0] =	vst.add.f32.msk $0xffff, v7  }
0x22b: {  	[tilespmem:s18+$0x1E50] =	vst.add.f32.msk $0xffff, v8  }
0x22c: {  	[tilespmem:s18+$0x1ED0] =	vst.add.f32.msk $0xffff, v9  }
0x22d: {  	[tilespmem:s18+$0x1F50] =	vst.add.f32.msk $0xffff, v3  }
0x22e: {  	v3 =	vld [tilespmem:s20+$0xDC60]  }
0x22f: {  	v4 =	vld [tilespmem:s20+$0xDCE0]  }
0x230: {  	v5 =	vld [tilespmem:s20+$0xDD60]  }
0x231: {  	v6 =	vld [tilespmem:s20+$0xDDE0]  }
0x232: {  	v7 =	vld [tilespmem:s20+$0xDE60]  }
0x233: {  	v8 =	vld [tilespmem:s20+$0xDEE0]  }
0x234: {  	v9 =	vld [tilespmem:s20+$0xDF60]  }
0x235: {  	[tilespmem:s18+$0x1C60] =	vst.add.f32.msk $0xffff, v3  }
0x236: {  	[tilespmem:s18+$0x1CE0] =	vst.add.f32.msk $0xffff, v4  }
0x237: {  	[tilespmem:s18+$0x1D60] =	vst.add.f32.msk $0xffff, v5  }
0x238: {  	[tilespmem:s18+$0x1DE0] =	vst.add.f32.msk $0xffff, v6  }
0x239: {  	[tilespmem:s18+$0x1E60] =	vst.add.f32.msk $0xffff, v7  }
0x23a: {  	[tilespmem:s18+$0x1EE0] =	vst.add.f32.msk $0xffff, v8  }
0x23b: {  	[tilespmem:s18+$0x1F60] =	vst.add.f32.msk $0xffff, v9  }
0x23c: {  	v3 =	vld [tilespmem:s20+$0xDC70]  }
0x23d: {  	v4 =	vld [tilespmem:s20+$0xDCF0]  }
0x23e: {  	v5 =	vld [tilespmem:s20+$0xDD70]  }
0x23f: {  	v6 =	vld [tilespmem:s20+$0xDDF0]  }
0x240: {  	v7 =	vld [tilespmem:s20+$0xDE70]  }
0x241: {  	v8 =	vld [tilespmem:s20+$0xDEF0]  }
0x242: {  	v9 =	vld [tilespmem:s20+$0xDF70]  }
0x243: {  	[tilespmem:s18+$0x1C70] =	vst.add.f32.msk $0xffff, v3  }
0x244: {  	[tilespmem:s18+$0x1CF0] =	vst.add.f32.msk $0xffff, v4  }
0x245: {  	[tilespmem:s18+$0x1D70] =	vst.add.f32.msk $0xffff, v5  }
0x246: {  	[tilespmem:s18+$0x1DF0] =	vst.add.f32.msk $0xffff, v6  }
0x247: {  	[tilespmem:s18+$0x1E70] =	vst.add.f32.msk $0xffff, v7  }
0x248: {  	[tilespmem:s18+$0x1EF0] =	vst.add.f32.msk $0xffff, v8  }
0x249: {  	[tilespmem:s18+$0x1F70] =	vst.add.f32.msk $0xffff, v9  }
0x24a: {  	v3 =	vld [tilespmem:s20+$0xE000]  }
0x24b: {  	v4 =	vld [tilespmem:s20+$0xE080]  }
0x24c: {  	v5 =	vld [tilespmem:s20+$0xE100]  }
0x24d: {  	v6 =	vld [tilespmem:s20+$0xE180]  }
0x24e: {  	v7 =	vld [tilespmem:s20+$0xE200]  }
0x24f: {  	v8 =	vld [tilespmem:s20+$0xE280]  }
0x250: {  	v9 =	vld [tilespmem:s20+$0xE300]  }
0x251: {  	[tilespmem:s18+$0x2000] =	vst.add.f32.msk $0xffff, v3  }
0x252: {  	[tilespmem:s18+$0x2080] =	vst.add.f32.msk $0xffff, v4  }
0x253: {  	[tilespmem:s18+$0x2100] =	vst.add.f32.msk $0xffff, v5  }
0x254: {  	[tilespmem:s18+$0x2180] =	vst.add.f32.msk $0xffff, v6  }
0x255: {  	[tilespmem:s18+$0x2200] =	vst.add.f32.msk $0xffff, v7  }
0x256: {  	[tilespmem:s18+$0x2280] =	vst.add.f32.msk $0xffff, v8  }
0x257: {  	[tilespmem:s18+$0x2300] =	vst.add.f32.msk $0xffff, v9  }
0x258: {  	v3 =	vld [tilespmem:s20+$0xE010]  }
0x259: {  	v4 =	vld [tilespmem:s20+$0xE090]  }
0x25a: {  	v5 =	vld [tilespmem:s20+$0xE110]  }
0x25b: {  	v6 =	vld [tilespmem:s20+$0xE190]  }
0x25c: {  	v7 =	vld [tilespmem:s20+$0xE210]  }
0x25d: {  	v8 =	vld [tilespmem:s20+$0xE290]  }
0x25e: {  	v9 =	vld [tilespmem:s20+$0xE310]  }
0x25f: {  	[tilespmem:s18+$0x2010] =	vst.add.f32.msk $0xffff, v3  }
0x260: {  	[tilespmem:s18+$0x2090] =	vst.add.f32.msk $0xffff, v4  }
0x261: {  	[tilespmem:s18+$0x2110] =	vst.add.f32.msk $0xffff, v5  }
0x262: {  	[tilespmem:s18+$0x2190] =	vst.add.f32.msk $0xffff, v6  }
0x263: {  	[tilespmem:s18+$0x2210] =	vst.add.f32.msk $0xffff, v7  }
0x264: {  	[tilespmem:s18+$0x2290] =	vst.add.f32.msk $0xffff, v8  }
0x265: {  	[tilespmem:s18+$0x2310] =	vst.add.f32.msk $0xffff, v9  }
0x266: {  	v3 =	vld [tilespmem:s20+$0xE020]  }
0x267: {  	v4 =	vld [tilespmem:s20+$0xE0A0]  }
0x268: {  	v5 =	vld [tilespmem:s20+$0xE120]  }
0x269: {  	v6 =	vld [tilespmem:s20+$0xE1A0]  }
0x26a: {  	v7 =	vld [tilespmem:s20+$0xE220]  }
0x26b: {  	v8 =	vld [tilespmem:s20+$0xE2A0]  }
0x26c: {  	v9 =	vld [tilespmem:s20+$0xE320]  }
0x26d: {  	[tilespmem:s18+$0x2020] =	vst.add.f32.msk $0xffff, v3  }
0x26e: {  	[tilespmem:s18+$0x20A0] =	vst.add.f32.msk $0xffff, v4  }
0x26f: {  	[tilespmem:s18+$0x2120] =	vst.add.f32.msk $0xffff, v5  }
0x270: {  	[tilespmem:s18+$0x21A0] =	vst.add.f32.msk $0xffff, v6  }
0x271: {  	[tilespmem:s18+$0x2220] =	vst.add.f32.msk $0xffff, v7  }
0x272: {  	[tilespmem:s18+$0x22A0] =	vst.add.f32.msk $0xffff, v8  }
0x273: {  	[tilespmem:s18+$0x2320] =	vst.add.f32.msk $0xffff, v9  }
0x274: {  	v3 =	vld [tilespmem:s20+$0xE030]  }
0x275: {  	v4 =	vld [tilespmem:s20+$0xE0B0]  }
0x276: {  	v5 =	vld [tilespmem:s20+$0xE130]  }
0x277: {  	v6 =	vld [tilespmem:s20+$0xE1B0]  }
0x278: {  	v7 =	vld [tilespmem:s20+$0xE230]  }
0x279: {  	v8 =	vld [tilespmem:s20+$0xE2B0]  }
0x27a: {  	v9 =	vld [tilespmem:s20+$0xE330]  }
0x27b: {  	[tilespmem:s18+$0x2030] =	vst.add.f32.msk $0xffff, v3  }
0x27c: {  	[tilespmem:s18+$0x20B0] =	vst.add.f32.msk $0xffff, v4  }
0x27d: {  	[tilespmem:s18+$0x2130] =	vst.add.f32.msk $0xffff, v5  }
0x27e: {  	[tilespmem:s18+$0x21B0] =	vst.add.f32.msk $0xffff, v6  }
0x27f: {  	[tilespmem:s18+$0x2230] =	vst.add.f32.msk $0xffff, v7  }
0x280: {  	[tilespmem:s18+$0x22B0] =	vst.add.f32.msk $0xffff, v8  }
0x281: {  	[tilespmem:s18+$0x2330] =	vst.add.f32.msk $0xffff, v9  }
0x282: {  	v3 =	vld [tilespmem:s20+$0xE040]  }
0x283: {  	v4 =	vld [tilespmem:s20+$0xE0C0]  }
0x284: {  	v5 =	vld [tilespmem:s20+$0xE140]  }
0x285: {  	v6 =	vld [tilespmem:s20+$0xE1C0]  }
0x286: {  	v7 =	vld [tilespmem:s20+$0xE240]  }
0x287: {  	v8 =	vld [tilespmem:s20+$0xE2C0]  }
0x288: {  	v9 =	vld [tilespmem:s20+$0xE340]  }
0x289: {  	[tilespmem:s18+$0x2040] =	vst.add.f32.msk $0xffff, v3  }
0x28a: {  	[tilespmem:s18+$0x20C0] =	vst.add.f32.msk $0xffff, v4  }
0x28b: {  	[tilespmem:s18+$0x2140] =	vst.add.f32.msk $0xffff, v5  }
0x28c: {  	[tilespmem:s18+$0x21C0] =	vst.add.f32.msk $0xffff, v6  }
0x28d: {  	[tilespmem:s18+$0x2240] =	vst.add.f32.msk $0xffff, v7  }
0x28e: {  	[tilespmem:s18+$0x22C0] =	vst.add.f32.msk $0xffff, v8  }
0x28f: {  	[tilespmem:s18+$0x2340] =	vst.add.f32.msk $0xffff, v9  }
0x290: {  	v3 =	vld [tilespmem:s20+$0xE050]  }
0x291: {  	v4 =	vld [tilespmem:s20+$0xE0D0]  }
0x292: {  	v5 =	vld [tilespmem:s20+$0xE150]  }
0x293: {  	v6 =	vld [tilespmem:s20+$0xE1D0]  }
0x294: {  	v7 =	vld [tilespmem:s20+$0xE250]  }
0x295: {  	v8 =	vld [tilespmem:s20+$0xE2D0]  }
0x296: {  	v9 =	vld [tilespmem:s20+$0xE350]  }
0x297: {  	[tilespmem:s18+$0x2050] =	vst.add.f32.msk $0xffff, v3  }
0x298: {  	[tilespmem:s18+$0x20D0] =	vst.add.f32.msk $0xffff, v4  }
0x299: {  	[tilespmem:s18+$0x2150] =	vst.add.f32.msk $0xffff, v5  }
0x29a: {  	[tilespmem:s18+$0x21D0] =	vst.add.f32.msk $0xffff, v6  }
0x29b: {  	[tilespmem:s18+$0x2250] =	vst.add.f32.msk $0xffff, v7  }
0x29c: {  	[tilespmem:s18+$0x22D0] =	vst.add.f32.msk $0xffff, v8  }
0x29d: {  	[tilespmem:s18+$0x2350] =	vst.add.f32.msk $0xffff, v9  }
0x29e: {  	v3 =	vld [tilespmem:s20+$0xE060]  }
0x29f: {  	v4 =	vld [tilespmem:s20+$0xE0E0]  }
0x2a0: {  	v5 =	vld [tilespmem:s20+$0xE160]  }
0x2a1: {  	v6 =	vld [tilespmem:s20+$0xE1E0]  }
0x2a2: {  	v7 =	vld [tilespmem:s20+$0xE260]  }
0x2a3: {  	v8 =	vld [tilespmem:s20+$0xE2E0]  }
0x2a4: {  	v9 =	vld [tilespmem:s20+$0xE360]  }
0x2a5: {  	[tilespmem:s18+$0x2060] =	vst.add.f32.msk $0xffff, v3  }
0x2a6: {  	[tilespmem:s18+$0x20E0] =	vst.add.f32.msk $0xffff, v4  }
0x2a7: {  	[tilespmem:s18+$0x2160] =	vst.add.f32.msk $0xffff, v5  }
0x2a8: {  	[tilespmem:s18+$0x21E0] =	vst.add.f32.msk $0xffff, v6  }
0x2a9: {  	[tilespmem:s18+$0x2260] =	vst.add.f32.msk $0xffff, v7  }
0x2aa: {  	[tilespmem:s18+$0x22E0] =	vst.add.f32.msk $0xffff, v8  }
0x2ab: {  	[tilespmem:s18+$0x2360] =	vst.add.f32.msk $0xffff, v9  }
0x2ac: {  	v3 =	vld [tilespmem:s20+$0xE070]  }
0x2ad: {  	v4 =	vld [tilespmem:s20+$0xE0F0]  }
0x2ae: {  	v5 =	vld [tilespmem:s20+$0xE170]  }
0x2af: {  	v6 =	vld [tilespmem:s20+$0xE1F0]  }
0x2b0: {  	v7 =	vld [tilespmem:s20+$0xE270]  }
0x2b1: {  	v8 =	vld [tilespmem:s20+$0xE2F0]  }
0x2b2: {  	v9 =	vld [tilespmem:s20+$0xE370]  }
0x2b3: {  	[tilespmem:s18+$0x2070] =	vst.add.f32.msk $0xffff, v3  }
0x2b4: {  	[tilespmem:s18+$0x20F0] =	vst.add.f32.msk $0xffff, v4  }
0x2b5: {  	[tilespmem:s18+$0x2170] =	vst.add.f32.msk $0xffff, v5  }
0x2b6: {  	[tilespmem:s18+$0x21F0] =	vst.add.f32.msk $0xffff, v6  }
0x2b7: {  	[tilespmem:s18+$0x2270] =	vst.add.f32.msk $0xffff, v7  }
0x2b8: {  	[tilespmem:s18+$0x22F0] =	vst.add.f32.msk $0xffff, v8  }
0x2b9: {  	[tilespmem:s18+$0x2370] =	vst.add.f32.msk $0xffff, v9  }
0x2ba: {  	v3 =	vld [tilespmem:s21+$0x15C00]  }
0x2bb: {  	v4 =	vld [tilespmem:s21+$0x15C80]  }
0x2bc: {  	v5 =	vld [tilespmem:s21+$0x15D00]  }
0x2bd: {  	v6 =	vld [tilespmem:s21+$0x15D80]  }
0x2be: {  	v7 =	vld [tilespmem:s21+$0x15E00]  }
0x2bf: {  	v8 =	vld [tilespmem:s21+$0x15E80]  }
0x2c0: {  	v9 =	vld [tilespmem:s21+$0x15F00]  }
0x2c1: {  	[tilespmem:s18+$0x2400] =	vst.add.f32.msk $0xffff, v3  }
0x2c2: {  	[tilespmem:s18+$0x2480] =	vst.add.f32.msk $0xffff, v4  }
0x2c3: {  	[tilespmem:s18+$0x2500] =	vst.add.f32.msk $0xffff, v5  }
0x2c4: {  	[tilespmem:s18+$0x2580] =	vst.add.f32.msk $0xffff, v6  }
0x2c5: {  	[tilespmem:s18+$0x2600] =	vst.add.f32.msk $0xffff, v7  }
0x2c6: {  	[tilespmem:s18+$0x2680] =	vst.add.f32.msk $0xffff, v8  }
0x2c7: {  	[tilespmem:s18+$0x2700] =	vst.add.f32.msk $0xffff, v9  }
0x2c8: {  	v3 =	vld [tilespmem:s21+$0x15C10]  }
0x2c9: {  	v4 =	vld [tilespmem:s21+$0x15C90]  }
0x2ca: {  	v5 =	vld [tilespmem:s21+$0x15D10]  }
0x2cb: {  	v6 =	vld [tilespmem:s21+$0x15D90]  }
0x2cc: {  	v7 =	vld [tilespmem:s21+$0x15E10]  }
0x2cd: {  	v8 =	vld [tilespmem:s21+$0x15E90]  }
0x2ce: {  	v9 =	vld [tilespmem:s21+$0x15F10]  }
0x2cf: {  	[tilespmem:s18+$0x2410] =	vst.add.f32.msk $0xffff, v3  }
0x2d0: {  	[tilespmem:s18+$0x2490] =	vst.add.f32.msk $0xffff, v4  }
0x2d1: {  	[tilespmem:s18+$0x2510] =	vst.add.f32.msk $0xffff, v5  }
0x2d2: {  	[tilespmem:s18+$0x2590] =	vst.add.f32.msk $0xffff, v6  }
0x2d3: {  	[tilespmem:s18+$0x2610] =	vst.add.f32.msk $0xffff, v7  }
0x2d4: {  	[tilespmem:s18+$0x2690] =	vst.add.f32.msk $0xffff, v8  }
0x2d5: {  	[tilespmem:s18+$0x2710] =	vst.add.f32.msk $0xffff, v9  }
0x2d6: {  	v5 =	vld [tilespmem:s21+$0x15C20]  }
0x2d7: {  	v6 =	vld [tilespmem:s21+$0x15CA0]  }
0x2d8: {  	v7 =	vld [tilespmem:s21+$0x15D20]  }
0x2d9: {  	v8 =	vld [tilespmem:s21+$0x15DA0]  }
0x2da: {  	v9 =	vld [tilespmem:s21+$0x15E20]  }
0x2db: {  	v4 =	vld [tilespmem:s21+$0x15EA0]  }
0x2dc: {  	v3 =	vld [tilespmem:s21+$0x15F20]  }
.Ltmp0:
0x2dd: {  	[tilespmem:s18+$0x2420] =	vst.add.f32.msk $0xffff, v5;
	(pc) =	sbr.rel @p0 .LBB2_3-.Ltmp0, $4  }
0x2de: {  	[tilespmem:s18+$0x24A0] =	vst.add.f32.msk $0xffff, v6  }
0x2df: {  	[tilespmem:s18+$0x2520] =	vst.add.f32.msk $0xffff, v7  }
0x2e0: {  	[tilespmem:s18+$0x25A0] =	vst.add.f32.msk $0xffff, v8  }
0x2e1: {  	s19 =	sadd.s32 $0x8, s19;
	[tilespmem:s18+$0x2620] =	vst.add.f32.msk $0xffff, v9  }
0x2e2: {  	[tilespmem:s18+$0x26A0] =	vst.add.f32.msk $0xffff, v4  }
0x2e3: {  	[tilespmem:s18+$0x2720] =	vst.add.f32.msk $0xffff, v3;
	p0 =	seq.s32 s16, $0x31  }
0x2e4: {  	v3 =	vld @!p0 [tilespmem:s17+$0x80];
	_ =	sdelay $0x4  }
0x2e5: {  	v4 =	vshrl.u32 @!p0 v3, $0x3  }
0x2e6: {  	v4 =	vmul.u32 @!p0 $0x18, v4  }
0x2e7: {  	v5 =	vlaneseq.u32 @!p0;
	v3 =	vand.u32 @!p0 $0x7, v3  }
0x2e8: {  	v6 =	vshrl.u32 @!p0 v5, $0x3;
	v3 =	vor.u32 @!p0 v3, v4;
	v4 =	vand.u32 @!p0 $0x7, v5  }
0x2e9: {  	v6 =	vmul.u32 @!p0 $0x8, v6;
	v7 =	vperm.xlane @!p0 v3, v4  }
0x2ea: {  	v5 =	vor.u32 @!p0 $0x8, v5  }
0x2eb: {  	v3 =	vperm.xlane @!p0 v3, v5;
	v7 =	vadd.s32 @!p0 v6, v7;
	_ =	sdelay $0x1  }
0x2ec: {  	v3 =	vadd.s32 @!p0 v6, v3;
	_ =	sdelay $0x1  }
0x2ed: {  	vm1 =	vmmov @!p0 $0xffff;
	s18 =	simm.s32 @!p0 $0x0;
	s19 =	simm.s32 @!p0 $0xDC00  }
0x2ee: {  	[tilespmem:s19], [sflag:$0x1] =	stream.indirect_vreg.gather @!p0 [hbm4b:s3+s18], $0x80, v7, vm1, $0xb8;
	[tilespmem:$0x19C00] =	vst v63  }
0x2ef: {  	s19 =	simm.s32 @!p0 $0xE400  }
0x2f0: {  	[tilespmem:s19], [sflag:$0x1] =	stream.indirect_vreg.gather @!p0 [hbm4b:s3+s18], $0x80, v3, vm1, $0xb8;
	[tilespmem:$0x19C00] =	vst v63  }
0x2f1: {  	v3 =	vld @!p0 [tilespmem:s17+$0x90];
	_ =	sdelay $0x4  }
0x2f2: {  	v7 =	vshrl.u32 @!p0 v3, $0x3  }
0x2f3: {  	v7 =	vmul.u32 @!p0 $0x18, v7  }
0x2f4: {  	v3 =	vand.u32 @!p0 $0x7, v3  }
0x2f5: {  	v3 =	vor.u32 @!p0 v3, v7  }
0x2f6: {  	v7 =	vperm.xlane @!p0 v3, v4;
	_ =	sdelay $0x1  }
0x2f7: {  	v3 =	vperm.xlane @!p0 v3, v5;
	v7 =	vadd.s32 @!p0 v6, v7;
	_ =	sdelay $0x1  }
0x2f8: {  	v3 =	vadd.s32 @!p0 v6, v3;
	_ =	sdelay $0x1  }
0x2f9: {  	s19 =	simm.s32 @!p0 $0xEC00  }
0x2fa: {  	[tilespmem:s19], [sflag:$0x1] =	stream.indirect_vreg.gather @!p0 [hbm4b:s3+s18], $0x80, v7, vm1, $0xb8;
	[tilespmem:$0x19C00] =	vst v63  }
0x2fb: {  	s19 =	simm.s32 @!p0 $0xF400  }
0x2fc: {  	[tilespmem:s19], [sflag:$0x1] =	stream.indirect_vreg.gather @!p0 [hbm4b:s3+s18], $0x80, v3, vm1, $0xb8;
	[tilespmem:$0x19C00] =	vst v63  }
0x2fd: {  	v3 =	vld @!p0 [tilespmem:s17+$0xA0];
	_ =	sdelay $0x4  }
0x2fe: {  	v7 =	vshrl.u32 @!p0 v3, $0x3  }
0x2ff: {  	v7 =	vmul.u32 @!p0 $0x18, v7  }
0x300: {  	v3 =	vand.u32 @!p0 $0x7, v3  }
0x301: {  	v3 =	vor.u32 @!p0 v3, v7  }
0x302: {  	v7 =	vperm.xlane @!p0 v3, v4;
	_ =	sdelay $0x1  }
0x303: {  	v3 =	vperm.xlane @!p0 v3, v5;
	v7 =	vadd.s32 @!p0 v6, v7;
	_ =	sdelay $0x1  }
0x304: {  	v3 =	vadd.s32 @!p0 v6, v3;
	_ =	sdelay $0x1  }
0x305: {  	s19 =	simm.s32 @!p0 $0xFC00  }
0x306: {  	[tilespmem:s19], [sflag:$0x1] =	stream.indirect_vreg.gather @!p0 [hbm4b:s3+s18], $0x80, v7, vm1, $0xb8;
	[tilespmem:$0x19C00] =	vst v63  }
0x307: {  	s19 =	simm.s32 @!p0 $0x10400  }
0x308: {  	[tilespmem:s19], [sflag:$0x1] =	stream.indirect_vreg.gather @!p0 [hbm4b:s3+s18], $0x80, v3, vm1, $0xb8;
	[tilespmem:$0x19C00] =	vst v63  }
0x309: {  	v3 =	vld @!p0 [tilespmem:s17+$0xB0];
	_ =	sdelay $0x4  }
0x30a: {  	v7 =	vshrl.u32 @!p0 v3, $0x3  }
0x30b: {  	v7 =	vmul.u32 @!p0 $0x18, v7  }
0x30c: {  	v3 =	vand.u32 @!p0 $0x7, v3  }
0x30d: {  	v3 =	vor.u32 @!p0 v3, v7  }
0x30e: {  	v4 =	vperm.xlane @!p0 v3, v4;
	_ =	sdelay $0x1  }
0x30f: {  	v3 =	vperm.xlane @!p0 v3, v5;
	v4 =	vadd.s32 @!p0 v6, v4;
	_ =	sdelay $0x1  }
0x310: {  	v3 =	vadd.s32 @!p0 v6, v3;
	_ =	sdelay $0x1  }
0x311: {  	s19 =	simm.s32 @!p0 $0x10C00  }
0x312: {  	[tilespmem:s19], [sflag:$0x1] =	stream.indirect_vreg.gather @!p0 [hbm4b:s3+s18], $0x80, v4, vm1, $0xb8;
	[tilespmem:$0x19C00] =	vst v63  }
0x313: {  	s19 =	simm.s32 @!p0 $0x11400  }
0x314: {  	[tilespmem:s19], [sflag:$0x1] =	stream.indirect_vreg.gather @!p0 [hbm4b:s3+s18], $0x80, v3, vm1, $0xb8;
	[tilespmem:$0x19C00] =	vst v63  }
0x315: {  	s17 =	sadd.s32 @!p0 $0x80, s17;
	s18 =	simm.s32 @!p0 $0x40;
	s19 =	simm.s32 @!p0 $0x15C00  }
0x316: {  	[tilespmem:s19], [sflag:$0x1] =	stream.indirect.gather @!p0 [hbm4b:s4+s18], $0x80, s17, s18, $0xb8;
	[tilespmem:$0x19C00] =	vst v63  }
0x317: {  	_ =	swait.ge [sflag:s12], $0x4000  }
0x318: {  	[sflag:s12] =	ssyncset.done $0x0  }
0x319: {  	[sflag:s12] =	ssyncadd.s32 $0xFFFFC000  }
0x31a: {  	_ =	swait.ge [sflag:s12], $0x2000  }
0x31b: {  	s19 =	simm.s32 $0x0;
	[sflag:s12] =	ssyncset.done $0x0  }
0x31c: {  	s18 =	sand.u32 $0x3FFFFF00, s19;
	[sflag:s12] =	ssyncadd.s32 $0xFFFFE000  }
0x31d: {  	v3 =	vld [tilespmem:s18+$0x11F80]  }
0x31e: {  	v4 =	vld [tilespmem:s18+$0x11C00]  }
0x31f: {  	v5 =	vld [tilespmem:s18+$0x11C80]  }
0x320: {  	v6 =	vld [tilespmem:s18+$0x11D00]  }
0x321: {  	s20 =	simm.s32 $0x0;
	v7 =	vld [tilespmem:s18+$0x11D80]  }
0x322: {  	s17 =	smul.u32 $0x3000, s20;
	v8 =	vld [tilespmem:s18+$0x11E00]  }
0x323: {  	v9 =	vld [tilespmem:s18+$0x11E80]  }
0x324: {  	s17 =	sshra.s32 s17, $0x2;
	v10 =	vld [tilespmem:s18+$0x11F00]  }
0x325: {  	[tilespmem:s17+$0x7F80] =	vst.add.f32.msk $0xffff, v3  }
0x326: {  	[tilespmem:s17+$0x7C00] =	vst.add.f32.msk $0xffff, v4  }
0x327: {  	[tilespmem:s17+$0x7C80] =	vst.add.f32.msk $0xffff, v5  }
0x328: {  	[tilespmem:s17+$0x7D00] =	vst.add.f32.msk $0xffff, v6  }
0x329: {  	[tilespmem:s17+$0x7D80] =	vst.add.f32.msk $0xffff, v7  }
0x32a: {  	[tilespmem:s17+$0x7E00] =	vst.add.f32.msk $0xffff, v8  }
0x32b: {  	[tilespmem:s17+$0x7E80] =	vst.add.f32.msk $0xffff, v9  }
0x32c: {  	[tilespmem:s17+$0x7F00] =	vst.add.f32.msk $0xffff, v10  }
0x32d: {  	v3 =	vld [tilespmem:s18+$0x11F90]  }
0x32e: {  	v4 =	vld [tilespmem:s18+$0x11C10]  }
0x32f: {  	v5 =	vld [tilespmem:s18+$0x11C90]  }
0x330: {  	v6 =	vld [tilespmem:s18+$0x11D10]  }
0x331: {  	v7 =	vld [tilespmem:s18+$0x11D90]  }
0x332: {  	v8 =	vld [tilespmem:s18+$0x11E10]  }
0x333: {  	v9 =	vld [tilespmem:s18+$0x11E90]  }
0x334: {  	v10 =	vld [tilespmem:s18+$0x11F10]  }
0x335: {  	[tilespmem:s17+$0x7F90] =	vst.add.f32.msk $0xffff, v3  }
0x336: {  	[tilespmem:s17+$0x7C10] =	vst.add.f32.msk $0xffff, v4  }
0x337: {  	[tilespmem:s17+$0x7C90] =	vst.add.f32.msk $0xffff, v5  }
0x338: {  	[tilespmem:s17+$0x7D10] =	vst.add.f32.msk $0xffff, v6  }
0x339: {  	[tilespmem:s17+$0x7D90] =	vst.add.f32.msk $0xffff, v7  }
0x33a: {  	[tilespmem:s17+$0x7E10] =	vst.add.f32.msk $0xffff, v8  }
0x33b: {  	[tilespmem:s17+$0x7E90] =	vst.add.f32.msk $0xffff, v9  }
0x33c: {  	[tilespmem:s17+$0x7F10] =	vst.add.f32.msk $0xffff, v10  }
0x33d: {  	v3 =	vld [tilespmem:s18+$0x11FA0]  }
0x33e: {  	v4 =	vld [tilespmem:s18+$0x11C20]  }
0x33f: {  	v5 =	vld [tilespmem:s18+$0x11CA0]  }
0x340: {  	v6 =	vld [tilespmem:s18+$0x11D20]  }
0x341: {  	v7 =	vld [tilespmem:s18+$0x11DA0]  }
0x342: {  	v8 =	vld [tilespmem:s18+$0x11E20]  }
0x343: {  	v9 =	vld [tilespmem:s18+$0x11EA0]  }
0x344: {  	v10 =	vld [tilespmem:s18+$0x11F20]  }
0x345: {  	[tilespmem:s17+$0x7FA0] =	vst.add.f32.msk $0xffff, v3  }
0x346: {  	[tilespmem:s17+$0x7C20] =	vst.add.f32.msk $0xffff, v4  }
0x347: {  	[tilespmem:s17+$0x7CA0] =	vst.add.f32.msk $0xffff, v5  }
0x348: {  	[tilespmem:s17+$0x7D20] =	vst.add.f32.msk $0xffff, v6  }
0x349: {  	[tilespmem:s17+$0x7DA0] =	vst.add.f32.msk $0xffff, v7  }
0x34a: {  	[tilespmem:s17+$0x7E20] =	vst.add.f32.msk $0xffff, v8  }
0x34b: {  	[tilespmem:s17+$0x7EA0] =	vst.add.f32.msk $0xffff, v9  }
0x34c: {  	[tilespmem:s17+$0x7F20] =	vst.add.f32.msk $0xffff, v10  }
0x34d: {  	v3 =	vld [tilespmem:s18+$0x11FB0]  }
0x34e: {  	v4 =	vld [tilespmem:s18+$0x11C30]  }
0x34f: {  	v5 =	vld [tilespmem:s18+$0x11CB0]  }
0x350: {  	v6 =	vld [tilespmem:s18+$0x11D30]  }
0x351: {  	v7 =	vld [tilespmem:s18+$0x11DB0]  }
0x352: {  	v8 =	vld [tilespmem:s18+$0x11E30]  }
0x353: {  	v9 =	vld [tilespmem:s18+$0x11EB0]  }
0x354: {  	v10 =	vld [tilespmem:s18+$0x11F30]  }
0x355: {  	[tilespmem:s17+$0x7FB0] =	vst.add.f32.msk $0xffff, v3  }
0x356: {  	[tilespmem:s17+$0x7C30] =	vst.add.f32.msk $0xffff, v4  }
0x357: {  	[tilespmem:s17+$0x7CB0] =	vst.add.f32.msk $0xffff, v5  }
0x358: {  	[tilespmem:s17+$0x7D30] =	vst.add.f32.msk $0xffff, v6  }
0x359: {  	[tilespmem:s17+$0x7DB0] =	vst.add.f32.msk $0xffff, v7  }
0x35a: {  	[tilespmem:s17+$0x7E30] =	vst.add.f32.msk $0xffff, v8  }
0x35b: {  	[tilespmem:s17+$0x7EB0] =	vst.add.f32.msk $0xffff, v9  }
0x35c: {  	[tilespmem:s17+$0x7F30] =	vst.add.f32.msk $0xffff, v10  }
0x35d: {  	v3 =	vld [tilespmem:s18+$0x11FC0]  }
0x35e: {  	v4 =	vld [tilespmem:s18+$0x11C40]  }
0x35f: {  	v5 =	vld [tilespmem:s18+$0x11CC0]  }
0x360: {  	v6 =	vld [tilespmem:s18+$0x11D40]  }
0x361: {  	v7 =	vld [tilespmem:s18+$0x11DC0]  }
0x362: {  	v8 =	vld [tilespmem:s18+$0x11E40]  }
0x363: {  	v9 =	vld [tilespmem:s18+$0x11EC0]  }
0x364: {  	v10 =	vld [tilespmem:s18+$0x11F40]  }
0x365: {  	[tilespmem:s17+$0x7FC0] =	vst.add.f32.msk $0xffff, v3  }
0x366: {  	[tilespmem:s17+$0x7C40] =	vst.add.f32.msk $0xffff, v4  }
0x367: {  	[tilespmem:s17+$0x7CC0] =	vst.add.f32.msk $0xffff, v5  }
0x368: {  	[tilespmem:s17+$0x7D40] =	vst.add.f32.msk $0xffff, v6  }
0x369: {  	[tilespmem:s17+$0x7DC0] =	vst.add.f32.msk $0xffff, v7  }
0x36a: {  	[tilespmem:s17+$0x7E40] =	vst.add.f32.msk $0xffff, v8  }
0x36b: {  	[tilespmem:s17+$0x7EC0] =	vst.add.f32.msk $0xffff, v9  }
0x36c: {  	[tilespmem:s17+$0x7F40] =	vst.add.f32.msk $0xffff, v10  }
0x36d: {  	v3 =	vld [tilespmem:s18+$0x11FD0]  }
0x36e: {  	v4 =	vld [tilespmem:s18+$0x11C50]  }
0x36f: {  	v5 =	vld [tilespmem:s18+$0x11CD0]  }
0x370: {  	v6 =	vld [tilespmem:s18+$0x11D50]  }
0x371: {  	v7 =	vld [tilespmem:s18+$0x11DD0]  }
0x372: {  	v8 =	vld [tilespmem:s18+$0x11E50]  }
0x373: {  	v9 =	vld [tilespmem:s18+$0x11ED0]  }
0x374: {  	[tilespmem:s17+$0x7FD0] =	vst.add.f32.msk $0xffff, v3  }
0x375: {  	[tilespmem:s17+$0x7C50] =	vst.add.f32.msk $0xffff, v4  }
0x376: {  	[tilespmem:s17+$0x7CD0] =	vst.add.f32.msk $0xffff, v5  }
0x377: {  	[tilespmem:s17+$0x7D50] =	vst.add.f32.msk $0xffff, v6  }
0x378: {  	[tilespmem:s17+$0x7DD0] =	vst.add.f32.msk $0xffff, v7  }
0x379: {  	[tilespmem:s17+$0x7E50] =	vst.add.f32.msk $0xffff, v8  }
0x37a: {  	[tilespmem:s17+$0x7ED0] =	vst.add.f32.msk $0xffff, v9  }
0x37b: {  	v3 =	vld [tilespmem:s18+$0x11FE0]  }
0x37c: {  	v4 =	vld [tilespmem:s18+$0x11CE0]  }
0x37d: {  	v5 =	vld [tilespmem:s18+$0x11D60]  }
0x37e: {  	v6 =	vld [tilespmem:s18+$0x11DE0]  }
0x37f: {  	v7 =	vld [tilespmem:s18+$0x11E60]  }
0x380: {  	v60 =	vld [tilespmem:s18+$0x11EE0]  }
0x381: {  	[tilespmem:s17+$0x7FE0] =	vst.add.f32.msk $0xffff, v3  }
0x382: {  	[tilespmem:s17+$0x7CE0] =	vst.add.f32.msk $0xffff, v4  }
0x383: {  	[tilespmem:s17+$0x7D60] =	vst.add.f32.msk $0xffff, v5  }
0x384: {  	[tilespmem:s17+$0x7DE0] =	vst.add.f32.msk $0xffff, v6  }
0x385: {  	[tilespmem:s17+$0x7E60] =	vst.add.f32.msk $0xffff, v7  }
0x386: {  	[tilespmem:s17+$0x7EE0] =	vst.add.f32.msk $0xffff, v60  }
0x387: {  	v3 =	vld [tilespmem:s18+$0x11FF0]  }
0x388: {  	v4 =	vld [tilespmem:s18+$0x11CF0]  }
0x389: {  	v5 =	vld [tilespmem:s18+$0x11D70]  }
0x38a: {  	v6 =	vld [tilespmem:s18+$0x11DF0]  }
0x38b: {  	v7 =	vld [tilespmem:s18+$0x11E70]  }
0x38c: {  	v8 =	vld [tilespmem:s18+$0x11EF0]  }
0x38d: {  	[tilespmem:s17+$0x7FF0] =	vst.add.f32.msk $0xffff, v3  }
0x38e: {  	[tilespmem:s17+$0x7CF0] =	vst.add.f32.msk $0xffff, v4  }
0x38f: {  	[tilespmem:s17+$0x7D70] =	vst.add.f32.msk $0xffff, v5  }
0x390: {  	[tilespmem:s17+$0x7DF0] =	vst.add.f32.msk $0xffff, v6  }
0x391: {  	[tilespmem:s17+$0x7E70] =	vst.add.f32.msk $0xffff, v7  }
0x392: {  	[tilespmem:s17+$0x7EF0] =	vst.add.f32.msk $0xffff, v8  }
0x393: {  	v3 =	vld [tilespmem:s18+$0x12380]  }
0x394: {  	v4 =	vld [tilespmem:s18+$0x12080]  }
0x395: {  	v5 =	vld [tilespmem:s18+$0x12100]  }
0x396: {  	v6 =	vld [tilespmem:s18+$0x12180]  }
0x397: {  	v7 =	vld [tilespmem:s18+$0x12200]  }
0x398: {  	v8 =	vld [tilespmem:s18+$0x12280]  }
0x399: {  	[tilespmem:s17+$0x8380] =	vst.add.f32.msk $0xffff, v3  }
0x39a: {  	[tilespmem:s17+$0x8080] =	vst.add.f32.msk $0xffff, v4  }
0x39b: {  	[tilespmem:s17+$0x8100] =	vst.add.f32.msk $0xffff, v5  }
0x39c: {  	[tilespmem:s17+$0x8180] =	vst.add.f32.msk $0xffff, v6  }
0x39d: {  	[tilespmem:s17+$0x8200] =	vst.add.f32.msk $0xffff, v7  }
0x39e: {  	[tilespmem:s17+$0x8280] =	vst.add.f32.msk $0xffff, v8  }
0x39f: {  	v3 =	vld [tilespmem:s18+$0x12390]  }
0x3a0: {  	v4 =	vld [tilespmem:s18+$0x12090]  }
0x3a1: {  	v5 =	vld [tilespmem:s18+$0x12110]  }
0x3a2: {  	v6 =	vld [tilespmem:s18+$0x12190]  }
0x3a3: {  	v7 =	vld [tilespmem:s18+$0x12210]  }
0x3a4: {  	v8 =	vld [tilespmem:s18+$0x12290]  }
0x3a5: {  	[tilespmem:s17+$0x8390] =	vst.add.f32.msk $0xffff, v3  }
0x3a6: {  	[tilespmem:s17+$0x8090] =	vst.add.f32.msk $0xffff, v4  }
0x3a7: {  	[tilespmem:s17+$0x8110] =	vst.add.f32.msk $0xffff, v5  }
0x3a8: {  	[tilespmem:s17+$0x8190] =	vst.add.f32.msk $0xffff, v6  }
0x3a9: {  	[tilespmem:s17+$0x8210] =	vst.add.f32.msk $0xffff, v7  }
0x3aa: {  	[tilespmem:s17+$0x8290] =	vst.add.f32.msk $0xffff, v8  }
0x3ab: {  	v3 =	vld [tilespmem:s18+$0x123A0]  }
0x3ac: {  	v4 =	vld [tilespmem:s18+$0x120A0]  }
0x3ad: {  	v5 =	vld [tilespmem:s18+$0x12120]  }
0x3ae: {  	v6 =	vld [tilespmem:s18+$0x121A0]  }
0x3af: {  	v7 =	vld [tilespmem:s18+$0x12220]  }
0x3b0: {  	v8 =	vld [tilespmem:s18+$0x122A0]  }
0x3b1: {  	[tilespmem:s17+$0x83A0] =	vst.add.f32.msk $0xffff, v3  }
0x3b2: {  	[tilespmem:s17+$0x80A0] =	vst.add.f32.msk $0xffff, v4  }
0x3b3: {  	[tilespmem:s17+$0x8120] =	vst.add.f32.msk $0xffff, v5  }
0x3b4: {  	[tilespmem:s17+$0x81A0] =	vst.add.f32.msk $0xffff, v6  }
0x3b5: {  	[tilespmem:s17+$0x8220] =	vst.add.f32.msk $0xffff, v7  }
0x3b6: {  	[tilespmem:s17+$0x82A0] =	vst.add.f32.msk $0xffff, v8  }
0x3b7: {  	v3 =	vld [tilespmem:s18+$0x123B0]  }
0x3b8: {  	v4 =	vld [tilespmem:s18+$0x120B0]  }
0x3b9: {  	v5 =	vld [tilespmem:s18+$0x12130]  }
0x3ba: {  	v6 =	vld [tilespmem:s18+$0x121B0]  }
0x3bb: {  	v7 =	vld [tilespmem:s18+$0x12230]  }
0x3bc: {  	v8 =	vld [tilespmem:s18+$0x122B0]  }
0x3bd: {  	[tilespmem:s17+$0x83B0] =	vst.add.f32.msk $0xffff, v3  }
0x3be: {  	[tilespmem:s17+$0x80B0] =	vst.add.f32.msk $0xffff, v4  }
0x3bf: {  	[tilespmem:s17+$0x8130] =	vst.add.f32.msk $0xffff, v5  }
0x3c0: {  	[tilespmem:s17+$0x81B0] =	vst.add.f32.msk $0xffff, v6  }
0x3c1: {  	[tilespmem:s17+$0x8230] =	vst.add.f32.msk $0xffff, v7  }
0x3c2: {  	[tilespmem:s17+$0x82B0] =	vst.add.f32.msk $0xffff, v8  }
0x3c3: {  	v3 =	vld [tilespmem:s18+$0x123C0]  }
0x3c4: {  	v4 =	vld [tilespmem:s18+$0x120C0]  }
0x3c5: {  	v5 =	vld [tilespmem:s18+$0x12140]  }
0x3c6: {  	v6 =	vld [tilespmem:s18+$0x121C0]  }
0x3c7: {  	v7 =	vld [tilespmem:s18+$0x12240]  }
0x3c8: {  	v8 =	vld [tilespmem:s18+$0x122C0]  }
0x3c9: {  	[tilespmem:s17+$0x83C0] =	vst.add.f32.msk $0xffff, v3  }
0x3ca: {  	[tilespmem:s17+$0x80C0] =	vst.add.f32.msk $0xffff, v4  }
0x3cb: {  	[tilespmem:s17+$0x8140] =	vst.add.f32.msk $0xffff, v5  }
0x3cc: {  	[tilespmem:s17+$0x81C0] =	vst.add.f32.msk $0xffff, v6  }
0x3cd: {  	[tilespmem:s17+$0x8240] =	vst.add.f32.msk $0xffff, v7  }
0x3ce: {  	[tilespmem:s17+$0x82C0] =	vst.add.f32.msk $0xffff, v8  }
0x3cf: {  	v3 =	vld [tilespmem:s18+$0x123D0]  }
0x3d0: {  	v4 =	vld [tilespmem:s18+$0x120D0]  }
0x3d1: {  	v5 =	vld [tilespmem:s18+$0x12150]  }
0x3d2: {  	v6 =	vld [tilespmem:s18+$0x121D0]  }
0x3d3: {  	v7 =	vld [tilespmem:s18+$0x12250]  }
0x3d4: {  	v8 =	vld [tilespmem:s18+$0x122D0]  }
0x3d5: {  	[tilespmem:s17+$0x83D0] =	vst.add.f32.msk $0xffff, v3  }
0x3d6: {  	[tilespmem:s17+$0x80D0] =	vst.add.f32.msk $0xffff, v4  }
0x3d7: {  	[tilespmem:s17+$0x8150] =	vst.add.f32.msk $0xffff, v5  }
0x3d8: {  	[tilespmem:s17+$0x81D0] =	vst.add.f32.msk $0xffff, v6  }
0x3d9: {  	v3 =	vld [tilespmem:s18+$0x123E0]  }
0x3da: {  	[tilespmem:s17+$0x8250] =	vst.add.f32.msk $0xffff, v7  }
0x3db: {  	[tilespmem:s17+$0x82D0] =	vst.add.f32.msk $0xffff, v8  }
0x3dc: {  	v4 =	vld [tilespmem:s18+$0x120E0]  }
0x3dd: {  	v5 =	vld [tilespmem:s18+$0x12160]  }
0x3de: {  	[tilespmem:s17+$0x83E0] =	vst.add.f32.msk $0xffff, v3  }
0x3df: {  	v3 =	vld [tilespmem:s18+$0x123F0]  }
0x3e0: {  	v6 =	vld [tilespmem:s18+$0x121E0]  }
0x3e1: {  	v7 =	vld [tilespmem:s18+$0x12260]  }
0x3e2: {  	v8 =	vld [tilespmem:s18+$0x122E0]  }
0x3e3: {  	s21 =	simm.s32 $0x0;
	[tilespmem:s17+$0x80E0] =	vst.add.f32.msk $0xffff, v4  }
0x3e4: {  	s19 =	sand.u32 $0x3FFFFF80, s21;
	[tilespmem:s17+$0x83F0] =	vst.add.f32.msk $0xffff, v3  }
0x3e5: {  	v3 =	vld [tilespmem:s19+$0x17F80]  }
0x3e6: {  	[tilespmem:s17+$0x8160] =	vst.add.f32.msk $0xffff, v5  }
0x3e7: {  	[tilespmem:s17+$0x81E0] =	vst.add.f32.msk $0xffff, v6  }
0x3e8: {  	[tilespmem:s17+$0x8260] =	vst.add.f32.msk $0xffff, v7  }
0x3e9: {  	[tilespmem:s17+$0x82E0] =	vst.add.f32.msk $0xffff, v8  }
0x3ea: {  	[tilespmem:s17+$0x8780] =	vst.add.f32.msk $0xffff, v3  }
0x3eb: {  	v3 =	vld [tilespmem:s19+$0x17F90]  }
0x3ec: {  	v4 =	vld [tilespmem:s18+$0x120F0]  }
0x3ed: {  	v5 =	vld [tilespmem:s18+$0x12170]  }
0x3ee: {  	v6 =	vld [tilespmem:s18+$0x121F0]  }
0x3ef: {  	v7 =	vld [tilespmem:s18+$0x12270]  }
0x3f0: {  	[tilespmem:s17+$0x8790] =	vst.add.f32.msk $0xffff, v3  }
0x3f1: {  	v3 =	vld [tilespmem:s19+$0x17FA0]  }
0x3f2: {  	v8 =	vld [tilespmem:s18+$0x122F0]  }
0x3f3: {  	[tilespmem:s17+$0x80F0] =	vst.add.f32.msk $0xffff, v4  }
0x3f4: {  	[tilespmem:s17+$0x8170] =	vst.add.f32.msk $0xffff, v5  }
0x3f5: {  	[tilespmem:s17+$0x81F0] =	vst.add.f32.msk $0xffff, v6  }
0x3f6: {  	[tilespmem:s17+$0x87A0] =	vst.add.f32.msk $0xffff, v3  }
0x3f7: {  	v3 =	vld [tilespmem:s18+$0x11F50]  }
0x3f8: {  	[tilespmem:s17+$0x8270] =	vst.add.f32.msk $0xffff, v7  }
0x3f9: {  	[tilespmem:s17+$0x82F0] =	vst.add.f32.msk $0xffff, v8  }
0x3fa: {  	v4 =	vld [tilespmem:s19+$0x17C80]  }
0x3fb: {  	v5 =	vld [tilespmem:s19+$0x17D00]  }
0x3fc: {  	[tilespmem:s17+$0x7F50] =	vst.add.f32.msk $0xffff, v3  }
0x3fd: {  	v3 =	vld [tilespmem:s18+$0x11C60]  }
0x3fe: {  	v6 =	vld [tilespmem:s19+$0x17D80]  }
0x3ff: {  	v61 =	vld [tilespmem:s18+$0x11F60]  }
0x400: {  	v7 =	vld [tilespmem:s19+$0x17E00]  }
0x401: {  	v8 =	vld [tilespmem:s19+$0x17E80]  }
0x402: {  	[tilespmem:s17+$0x7C60] =	vst.add.f32.msk $0xffff, v3  }
0x403: {  	v3 =	vld [tilespmem:s18+$0x11C70]  }
0x404: {  	[tilespmem:s17+$0x7F60] =	vst.add.f32.msk $0xffff, v61  }
0x405: {  	v9 =	vld [tilespmem:s18+$0x11F70]  }
0x406: {  	[tilespmem:s17+$0x8480] =	vst.add.f32.msk $0xffff, v4  }
0x407: {  	[tilespmem:s17+$0x8500] =	vst.add.f32.msk $0xffff, v5  }
0x408: {  	[tilespmem:s17+$0x7C70] =	vst.add.f32.msk $0xffff, v3  }
0x409: {  	v3 =	vld [tilespmem:s18+$0x12000]  }
0x40a: {  	[tilespmem:s17+$0x7F70] =	vst.add.f32.msk $0xffff, v9  }
0x40b: {  	v9 =	vld [tilespmem:s18+$0x12300]  }
0x40c: {  	[tilespmem:s17+$0x8580] =	vst.add.f32.msk $0xffff, v6  }
0x40d: {  	[tilespmem:s17+$0x8600] =	vst.add.f32.msk $0xffff, v7  }
0x40e: {  	[tilespmem:s17+$0x8000] =	vst.add.f32.msk $0xffff, v3  }
0x40f: {  	v3 =	vld [tilespmem:s18+$0x12010]  }
0x410: {  	[tilespmem:s17+$0x8300] =	vst.add.f32.msk $0xffff, v9  }
0x411: {  	v9 =	vld [tilespmem:s18+$0x12310]  }
0x412: {  	[tilespmem:s17+$0x8680] =	vst.add.f32.msk $0xffff, v8  }
0x413: {  	v4 =	vld [tilespmem:s19+$0x17C90]  }
0x414: {  	[tilespmem:s17+$0x8010] =	vst.add.f32.msk $0xffff, v3  }
0x415: {  	v3 =	vld [tilespmem:s18+$0x12020]  }
0x416: {  	[tilespmem:s17+$0x8310] =	vst.add.f32.msk $0xffff, v9  }
0x417: {  	v9 =	vld [tilespmem:s18+$0x12320]  }
0x418: {  	v5 =	vld [tilespmem:s19+$0x17D10]  }
0x419: {  	v6 =	vld [tilespmem:s19+$0x17D90]  }
0x41a: {  	[tilespmem:s17+$0x8020] =	vst.add.f32.msk $0xffff, v3  }
0x41b: {  	v3 =	vld [tilespmem:s18+$0x12030]  }
0x41c: {  	[tilespmem:s17+$0x8320] =	vst.add.f32.msk $0xffff, v9  }
0x41d: {  	v9 =	vld [tilespmem:s18+$0x12330]  }
0x41e: {  	v7 =	vld [tilespmem:s19+$0x17E10]  }
0x41f: {  	v8 =	vld [tilespmem:s19+$0x17E90]  }
0x420: {  	[tilespmem:s17+$0x8030] =	vst.add.f32.msk $0xffff, v3  }
0x421: {  	v3 =	vld [tilespmem:s18+$0x12040]  }
0x422: {  	[tilespmem:s17+$0x8330] =	vst.add.f32.msk $0xffff, v9  }
0x423: {  	v9 =	vld [tilespmem:s18+$0x12340]  }
0x424: {  	[tilespmem:s17+$0x8490] =	vst.add.f32.msk $0xffff, v4  }
0x425: {  	[tilespmem:s17+$0x8510] =	vst.add.f32.msk $0xffff, v5  }
0x426: {  	[tilespmem:s17+$0x8040] =	vst.add.f32.msk $0xffff, v3  }
0x427: {  	v3 =	vld [tilespmem:s18+$0x12050]  }
0x428: {  	[tilespmem:s17+$0x8340] =	vst.add.f32.msk $0xffff, v9  }
0x429: {  	v9 =	vld [tilespmem:s18+$0x12350]  }
0x42a: {  	[tilespmem:s17+$0x8590] =	vst.add.f32.msk $0xffff, v6  }
0x42b: {  	[tilespmem:s17+$0x8610] =	vst.add.f32.msk $0xffff, v7  }
0x42c: {  	[tilespmem:s17+$0x8050] =	vst.add.f32.msk $0xffff, v3  }
0x42d: {  	v3 =	vld [tilespmem:s18+$0x12060]  }
0x42e: {  	[tilespmem:s17+$0x8350] =	vst.add.f32.msk $0xffff, v9  }
0x42f: {  	v9 =	vld [tilespmem:s18+$0x12360]  }
0x430: {  	[tilespmem:s17+$0x8690] =	vst.add.f32.msk $0xffff, v8  }
0x431: {  	v6 =	vld [tilespmem:s19+$0x17CA0]  }
0x432: {  	[tilespmem:s17+$0x8060] =	vst.add.f32.msk $0xffff, v3  }
0x433: {  	v3 =	vld [tilespmem:s18+$0x12070]  }
0x434: {  	[tilespmem:s17+$0x8360] =	vst.add.f32.msk $0xffff, v9  }
0x435: {  	v9 =	vld [tilespmem:s18+$0x12370]  }
0x436: {  	v7 =	vld [tilespmem:s19+$0x17D20]  }
0x437: {  	v62 =	vld [tilespmem:s19+$0x17DA0]  }
0x438: {  	[tilespmem:s17+$0x8070] =	vst.add.f32.msk $0xffff, v3  }
0x439: {  	v3 =	vld [tilespmem:s19+$0x17C00]  }
0x43a: {  	[tilespmem:s17+$0x8370] =	vst.add.f32.msk $0xffff, v9  }
0x43b: {  	v9 =	vld [tilespmem:s19+$0x17F00]  }
0x43c: {  	v63 =	vld [tilespmem:s19+$0x17E20]  }
0x43d: {  	v4 =	vld [tilespmem:s19+$0x17EA0]  }
0x43e: {  	[tilespmem:s17+$0x8400] =	vst.add.f32.msk $0xffff, v3  }
0x43f: {  	v3 =	vld [tilespmem:s19+$0x17C10]  }
0x440: {  	[tilespmem:s17+$0x8700] =	vst.add.f32.msk $0xffff, v9  }
0x441: {  	v9 =	vld [tilespmem:s19+$0x17F10]  }
0x442: {  	[tilespmem:s17+$0x84A0] =	vst.add.f32.msk $0xffff, v6  }
0x443: {  	[tilespmem:s17+$0x8520] =	vst.add.f32.msk $0xffff, v7  }
0x444: {  	[tilespmem:s17+$0x8410] =	vst.add.f32.msk $0xffff, v3  }
0x445: {  	v5 =	vld [tilespmem:s19+$0x17C20]  }
0x446: {  	[tilespmem:s17+$0x8710] =	vst.add.f32.msk $0xffff, v9  }
0x447: {  	v3 =	vld [tilespmem:s19+$0x17F20]  }
0x448: {  	[tilespmem:s17+$0x85A0] =	vst.add.f32.msk $0xffff, v62  }
0x449: {  	[tilespmem:s17+$0x8620] =	vst.add.f32.msk $0xffff, v63  }
0x44a: {  	s18 =	simm.s32 $0x8;
	[tilespmem:s17+$0x8420] =	vst.add.f32.msk $0xffff, v5  }
.LBB2_5:
0x44b: {  	s19 =	sshll.u32 s18, $0x8;
	p0 =	slt.u32 s18, $0x38;
	[tilespmem:s17+$0x86A0] =	vst.add.f32.msk $0xffff, v4  }
0x44c: {  	s19 =	sand.u32 $0x3FFFFF00, s19;
	[tilespmem:s17+$0x8720] =	vst.add.f32.msk $0xffff, v3  }
0x44d: {  	v3 =	vld [tilespmem:s19+$0x11F80]  }
0x44e: {  	s17 =	sshrl.u32 s18, $0x3;
	v4 =	vld [tilespmem:s19+$0x11C00]  }
0x44f: {  	s17 =	smul.u32 $0x3000, s17;
	v5 =	vld [tilespmem:s19+$0x11C80]  }
0x450: {  	v6 =	vld [tilespmem:s19+$0x11D00]  }
0x451: {  	s17 =	sshra.s32 s17, $0x2;
	v7 =	vld [tilespmem:s19+$0x11D80]  }
0x452: {  	[tilespmem:s17+$0x7F80] =	vst.add.f32.msk $0xffff, v3  }
0x453: {  	v3 =	vld [tilespmem:s19+$0x11F90]  }
0x454: {  	v8 =	vld [tilespmem:s19+$0x11E00]  }
0x455: {  	v9 =	vld [tilespmem:s19+$0x11E80]  }
0x456: {  	v10 =	vld [tilespmem:s19+$0x11F00]  }
0x457: {  	[tilespmem:s17+$0x7C00] =	vst.add.f32.msk $0xffff, v4  }
0x458: {  	[tilespmem:s17+$0x7F90] =	vst.add.f32.msk $0xffff, v3  }
0x459: {  	v3 =	vld [tilespmem:s19+$0x11FA0]  }
0x45a: {  	[tilespmem:s17+$0x7C80] =	vst.add.f32.msk $0xffff, v5  }
0x45b: {  	[tilespmem:s17+$0x7D00] =	vst.add.f32.msk $0xffff, v6  }
0x45c: {  	[tilespmem:s17+$0x7D80] =	vst.add.f32.msk $0xffff, v7  }
0x45d: {  	[tilespmem:s17+$0x7E00] =	vst.add.f32.msk $0xffff, v8  }
0x45e: {  	[tilespmem:s17+$0x7FA0] =	vst.add.f32.msk $0xffff, v3  }
0x45f: {  	v3 =	vld [tilespmem:s19+$0x11FB0]  }
0x460: {  	[tilespmem:s17+$0x7E80] =	vst.add.f32.msk $0xffff, v9  }
0x461: {  	[tilespmem:s17+$0x7F00] =	vst.add.f32.msk $0xffff, v10  }
0x462: {  	v4 =	vld [tilespmem:s19+$0x11C10]  }
0x463: {  	v5 =	vld [tilespmem:s19+$0x11C90]  }
0x464: {  	[tilespmem:s17+$0x7FB0] =	vst.add.f32.msk $0xffff, v3  }
0x465: {  	v3 =	vld [tilespmem:s19+$0x11FC0]  }
0x466: {  	v6 =	vld [tilespmem:s19+$0x11D10]  }
0x467: {  	v7 =	vld [tilespmem:s19+$0x11D90]  }
0x468: {  	v8 =	vld [tilespmem:s19+$0x11E10]  }
0x469: {  	v9 =	vld [tilespmem:s19+$0x11E90]  }
0x46a: {  	[tilespmem:s17+$0x7FC0] =	vst.add.f32.msk $0xffff, v3  }
0x46b: {  	v3 =	vld [tilespmem:s19+$0x11FD0]  }
0x46c: {  	v10 =	vld [tilespmem:s19+$0x11F10]  }
0x46d: {  	[tilespmem:s17+$0x7C10] =	vst.add.f32.msk $0xffff, v4  }
0x46e: {  	[tilespmem:s17+$0x7C90] =	vst.add.f32.msk $0xffff, v5  }
0x46f: {  	[tilespmem:s17+$0x7D10] =	vst.add.f32.msk $0xffff, v6  }
0x470: {  	[tilespmem:s17+$0x7FD0] =	vst.add.f32.msk $0xffff, v3  }
0x471: {  	v3 =	vld [tilespmem:s19+$0x11FE0]  }
0x472: {  	[tilespmem:s17+$0x7D90] =	vst.add.f32.msk $0xffff, v7  }
0x473: {  	[tilespmem:s17+$0x7E10] =	vst.add.f32.msk $0xffff, v8  }
0x474: {  	[tilespmem:s17+$0x7E90] =	vst.add.f32.msk $0xffff, v9  }
0x475: {  	[tilespmem:s17+$0x7F10] =	vst.add.f32.msk $0xffff, v10  }
0x476: {  	[tilespmem:s17+$0x7FE0] =	vst.add.f32.msk $0xffff, v3  }
0x477: {  	v3 =	vld [tilespmem:s19+$0x11FF0]  }
0x478: {  	v4 =	vld [tilespmem:s19+$0x11C20]  }
0x479: {  	v5 =	vld [tilespmem:s19+$0x11CA0]  }
0x47a: {  	v6 =	vld [tilespmem:s19+$0x11D20]  }
0x47b: {  	v7 =	vld [tilespmem:s19+$0x11DA0]  }
0x47c: {  	[tilespmem:s17+$0x7FF0] =	vst.add.f32.msk $0xffff, v3  }
0x47d: {  	v3 =	vld [tilespmem:s19+$0x12380]  }
0x47e: {  	v8 =	vld [tilespmem:s19+$0x11E20]  }
0x47f: {  	v9 =	vld [tilespmem:s19+$0x11EA0]  }
0x480: {  	v10 =	vld [tilespmem:s19+$0x11F20]  }
0x481: {  	[tilespmem:s17+$0x7C20] =	vst.add.f32.msk $0xffff, v4  }
0x482: {  	[tilespmem:s17+$0x8380] =	vst.add.f32.msk $0xffff, v3  }
0x483: {  	v3 =	vld [tilespmem:s19+$0x12390]  }
0x484: {  	[tilespmem:s17+$0x7CA0] =	vst.add.f32.msk $0xffff, v5  }
0x485: {  	[tilespmem:s17+$0x7D20] =	vst.add.f32.msk $0xffff, v6  }
0x486: {  	[tilespmem:s17+$0x7DA0] =	vst.add.f32.msk $0xffff, v7  }
0x487: {  	[tilespmem:s17+$0x7E20] =	vst.add.f32.msk $0xffff, v8  }
0x488: {  	[tilespmem:s17+$0x8390] =	vst.add.f32.msk $0xffff, v3  }
0x489: {  	v3 =	vld [tilespmem:s19+$0x123A0]  }
0x48a: {  	[tilespmem:s17+$0x7EA0] =	vst.add.f32.msk $0xffff, v9  }
0x48b: {  	[tilespmem:s17+$0x7F20] =	vst.add.f32.msk $0xffff, v10  }
0x48c: {  	v4 =	vld [tilespmem:s19+$0x11C30]  }
0x48d: {  	v5 =	vld [tilespmem:s19+$0x11CB0]  }
0x48e: {  	[tilespmem:s17+$0x83A0] =	vst.add.f32.msk $0xffff, v3  }
0x48f: {  	v3 =	vld [tilespmem:s19+$0x123B0]  }
0x490: {  	v6 =	vld [tilespmem:s19+$0x11D30]  }
0x491: {  	v7 =	vld [tilespmem:s19+$0x11DB0]  }
0x492: {  	v8 =	vld [tilespmem:s19+$0x11E30]  }
0x493: {  	v9 =	vld [tilespmem:s19+$0x11EB0]  }
0x494: {  	[tilespmem:s17+$0x83B0] =	vst.add.f32.msk $0xffff, v3  }
0x495: {  	v3 =	vld [tilespmem:s19+$0x123C0]  }
0x496: {  	v10 =	vld [tilespmem:s19+$0x11F30]  }
0x497: {  	[tilespmem:s17+$0x7C30] =	vst.add.f32.msk $0xffff, v4  }
0x498: {  	[tilespmem:s17+$0x7CB0] =	vst.add.f32.msk $0xffff, v5  }
0x499: {  	[tilespmem:s17+$0x7D30] =	vst.add.f32.msk $0xffff, v6  }
0x49a: {  	[tilespmem:s17+$0x83C0] =	vst.add.f32.msk $0xffff, v3  }
0x49b: {  	v3 =	vld [tilespmem:s19+$0x123D0]  }
0x49c: {  	[tilespmem:s17+$0x7DB0] =	vst.add.f32.msk $0xffff, v7  }
0x49d: {  	[tilespmem:s17+$0x7E30] =	vst.add.f32.msk $0xffff, v8  }
0x49e: {  	[tilespmem:s17+$0x7EB0] =	vst.add.f32.msk $0xffff, v9  }
0x49f: {  	[tilespmem:s17+$0x7F30] =	vst.add.f32.msk $0xffff, v10  }
0x4a0: {  	[tilespmem:s17+$0x83D0] =	vst.add.f32.msk $0xffff, v3  }
0x4a1: {  	v3 =	vld [tilespmem:s19+$0x123E0]  }
0x4a2: {  	v4 =	vld [tilespmem:s19+$0x11C40]  }
0x4a3: {  	v5 =	vld [tilespmem:s19+$0x11CC0]  }
0x4a4: {  	v6 =	vld [tilespmem:s19+$0x11D40]  }
0x4a5: {  	v7 =	vld [tilespmem:s19+$0x11DC0]  }
0x4a6: {  	[tilespmem:s17+$0x83E0] =	vst.add.f32.msk $0xffff, v3  }
0x4a7: {  	v3 =	vld [tilespmem:s19+$0x123F0]  }
0x4a8: {  	v8 =	vld [tilespmem:s19+$0x11E40]  }
0x4a9: {  	v9 =	vld [tilespmem:s19+$0x11EC0]  }
0x4aa: {  	v10 =	vld [tilespmem:s19+$0x11F40]  }
0x4ab: {  	s20 =	sshll.u32 s18, $0x7;
	[tilespmem:s17+$0x7C40] =	vst.add.f32.msk $0xffff, v4  }
0x4ac: {  	s20 =	sand.u32 $0x3FFFFF80, s20;
	[tilespmem:s17+$0x83F0] =	vst.add.f32.msk $0xffff, v3  }
0x4ad: {  	v3 =	vld [tilespmem:s20+$0x17F80]  }
0x4ae: {  	[tilespmem:s17+$0x7CC0] =	vst.add.f32.msk $0xffff, v5  }
0x4af: {  	[tilespmem:s17+$0x7D40] =	vst.add.f32.msk $0xffff, v6  }
0x4b0: {  	[tilespmem:s17+$0x7DC0] =	vst.add.f32.msk $0xffff, v7  }
0x4b1: {  	[tilespmem:s17+$0x7E40] =	vst.add.f32.msk $0xffff, v8  }
0x4b2: {  	[tilespmem:s17+$0x8780] =	vst.add.f32.msk $0xffff, v3  }
0x4b3: {  	v3 =	vld [tilespmem:s20+$0x17F90]  }
0x4b4: {  	[tilespmem:s17+$0x7EC0] =	vst.add.f32.msk $0xffff, v9  }
0x4b5: {  	[tilespmem:s17+$0x7F40] =	vst.add.f32.msk $0xffff, v10  }
0x4b6: {  	v4 =	vld [tilespmem:s19+$0x11C50]  }
0x4b7: {  	v5 =	vld [tilespmem:s19+$0x11CD0]  }
0x4b8: {  	[tilespmem:s17+$0x8790] =	vst.add.f32.msk $0xffff, v3  }
0x4b9: {  	v3 =	vld [tilespmem:s20+$0x17FA0]  }
0x4ba: {  	v6 =	vld [tilespmem:s19+$0x11D50]  }
0x4bb: {  	v7 =	vld [tilespmem:s19+$0x11DD0]  }
0x4bc: {  	v8 =	vld [tilespmem:s19+$0x11E50]  }
0x4bd: {  	v9 =	vld [tilespmem:s19+$0x11ED0]  }
0x4be: {  	[tilespmem:s17+$0x87A0] =	vst.add.f32.msk $0xffff, v3  }
0x4bf: {  	v3 =	vld [tilespmem:s19+$0x11F50]  }
0x4c0: {  	[tilespmem:s17+$0x7C50] =	vst.add.f32.msk $0xffff, v4  }
0x4c1: {  	[tilespmem:s17+$0x7CD0] =	vst.add.f32.msk $0xffff, v5  }
0x4c2: {  	[tilespmem:s17+$0x7D50] =	vst.add.f32.msk $0xffff, v6  }
0x4c3: {  	[tilespmem:s17+$0x7DD0] =	vst.add.f32.msk $0xffff, v7  }
0x4c4: {  	[tilespmem:s17+$0x7E50] =	vst.add.f32.msk $0xffff, v8  }
0x4c5: {  	[tilespmem:s17+$0x7ED0] =	vst.add.f32.msk $0xffff, v9  }
0x4c6: {  	[tilespmem:s17+$0x7F50] =	vst.add.f32.msk $0xffff, v3  }
0x4c7: {  	v3 =	vld [tilespmem:s19+$0x11C60]  }
0x4c8: {  	v4 =	vld [tilespmem:s19+$0x11CE0]  }
0x4c9: {  	v5 =	vld [tilespmem:s19+$0x11D60]  }
0x4ca: {  	v6 =	vld [tilespmem:s19+$0x11DE0]  }
0x4cb: {  	v7 =	vld [tilespmem:s19+$0x11E60]  }
0x4cc: {  	v8 =	vld [tilespmem:s19+$0x11EE0]  }
0x4cd: {  	v9 =	vld [tilespmem:s19+$0x11F60]  }
0x4ce: {  	[tilespmem:s17+$0x7C60] =	vst.add.f32.msk $0xffff, v3  }
0x4cf: {  	[tilespmem:s17+$0x7CE0] =	vst.add.f32.msk $0xffff, v4  }
0x4d0: {  	[tilespmem:s17+$0x7D60] =	vst.add.f32.msk $0xffff, v5  }
0x4d1: {  	[tilespmem:s17+$0x7DE0] =	vst.add.f32.msk $0xffff, v6  }
0x4d2: {  	[tilespmem:s17+$0x7E60] =	vst.add.f32.msk $0xffff, v7  }
0x4d3: {  	[tilespmem:s17+$0x7EE0] =	vst.add.f32.msk $0xffff, v8  }
0x4d4: {  	[tilespmem:s17+$0x7F60] =	vst.add.f32.msk $0xffff, v9  }
0x4d5: {  	v3 =	vld [tilespmem:s19+$0x11C70]  }
0x4d6: {  	v4 =	vld [tilespmem:s19+$0x11CF0]  }
0x4d7: {  	v5 =	vld [tilespmem:s19+$0x11D70]  }
0x4d8: {  	v6 =	vld [tilespmem:s19+$0x11DF0]  }
0x4d9: {  	v7 =	vld [tilespmem:s19+$0x11E70]  }
0x4da: {  	v8 =	vld [tilespmem:s19+$0x11EF0]  }
0x4db: {  	v9 =	vld [tilespmem:s19+$0x11F70]  }
0x4dc: {  	[tilespmem:s17+$0x7C70] =	vst.add.f32.msk $0xffff, v3  }
0x4dd: {  	[tilespmem:s17+$0x7CF0] =	vst.add.f32.msk $0xffff, v4  }
0x4de: {  	[tilespmem:s17+$0x7D70] =	vst.add.f32.msk $0xffff, v5  }
0x4df: {  	[tilespmem:s17+$0x7DF0] =	vst.add.f32.msk $0xffff, v6  }
0x4e0: {  	[tilespmem:s17+$0x7E70] =	vst.add.f32.msk $0xffff, v7  }
0x4e1: {  	[tilespmem:s17+$0x7EF0] =	vst.add.f32.msk $0xffff, v8  }
0x4e2: {  	[tilespmem:s17+$0x7F70] =	vst.add.f32.msk $0xffff, v9  }
0x4e3: {  	v3 =	vld [tilespmem:s19+$0x12000]  }
0x4e4: {  	v4 =	vld [tilespmem:s19+$0x12080]  }
0x4e5: {  	v5 =	vld [tilespmem:s19+$0x12100]  }
0x4e6: {  	v6 =	vld [tilespmem:s19+$0x12180]  }
0x4e7: {  	v7 =	vld [tilespmem:s19+$0x12200]  }
0x4e8: {  	v8 =	vld [tilespmem:s19+$0x12280]  }
0x4e9: {  	v9 =	vld [tilespmem:s19+$0x12300]  }
0x4ea: {  	[tilespmem:s17+$0x8000] =	vst.add.f32.msk $0xffff, v3  }
0x4eb: {  	[tilespmem:s17+$0x8080] =	vst.add.f32.msk $0xffff, v4  }
0x4ec: {  	[tilespmem:s17+$0x8100] =	vst.add.f32.msk $0xffff, v5  }
0x4ed: {  	[tilespmem:s17+$0x8180] =	vst.add.f32.msk $0xffff, v6  }
0x4ee: {  	[tilespmem:s17+$0x8200] =	vst.add.f32.msk $0xffff, v7  }
0x4ef: {  	[tilespmem:s17+$0x8280] =	vst.add.f32.msk $0xffff, v8  }
0x4f0: {  	[tilespmem:s17+$0x8300] =	vst.add.f32.msk $0xffff, v9  }
0x4f1: {  	v3 =	vld [tilespmem:s19+$0x12010]  }
0x4f2: {  	v4 =	vld [tilespmem:s19+$0x12090]  }
0x4f3: {  	v5 =	vld [tilespmem:s19+$0x12110]  }
0x4f4: {  	v6 =	vld [tilespmem:s19+$0x12190]  }
0x4f5: {  	v7 =	vld [tilespmem:s19+$0x12210]  }
0x4f6: {  	v8 =	vld [tilespmem:s19+$0x12290]  }
0x4f7: {  	v9 =	vld [tilespmem:s19+$0x12310]  }
0x4f8: {  	[tilespmem:s17+$0x8010] =	vst.add.f32.msk $0xffff, v3  }
0x4f9: {  	[tilespmem:s17+$0x8090] =	vst.add.f32.msk $0xffff, v4  }
0x4fa: {  	[tilespmem:s17+$0x8110] =	vst.add.f32.msk $0xffff, v5  }
0x4fb: {  	[tilespmem:s17+$0x8190] =	vst.add.f32.msk $0xffff, v6  }
0x4fc: {  	[tilespmem:s17+$0x8210] =	vst.add.f32.msk $0xffff, v7  }
0x4fd: {  	[tilespmem:s17+$0x8290] =	vst.add.f32.msk $0xffff, v8  }
0x4fe: {  	[tilespmem:s17+$0x8310] =	vst.add.f32.msk $0xffff, v9  }
0x4ff: {  	v3 =	vld [tilespmem:s19+$0x12020]  }
0x500: {  	v4 =	vld [tilespmem:s19+$0x120A0]  }
0x501: {  	v5 =	vld [tilespmem:s19+$0x12120]  }
0x502: {  	v6 =	vld [tilespmem:s19+$0x121A0]  }
0x503: {  	v7 =	vld [tilespmem:s19+$0x12220]  }
0x504: {  	v8 =	vld [tilespmem:s19+$0x122A0]  }
0x505: {  	v9 =	vld [tilespmem:s19+$0x12320]  }
0x506: {  	[tilespmem:s17+$0x8020] =	vst.add.f32.msk $0xffff, v3  }
0x507: {  	[tilespmem:s17+$0x80A0] =	vst.add.f32.msk $0xffff, v4  }
0x508: {  	[tilespmem:s17+$0x8120] =	vst.add.f32.msk $0xffff, v5  }
0x509: {  	[tilespmem:s17+$0x81A0] =	vst.add.f32.msk $0xffff, v6  }
0x50a: {  	[tilespmem:s17+$0x8220] =	vst.add.f32.msk $0xffff, v7  }
0x50b: {  	[tilespmem:s17+$0x82A0] =	vst.add.f32.msk $0xffff, v8  }
0x50c: {  	[tilespmem:s17+$0x8320] =	vst.add.f32.msk $0xffff, v9  }
0x50d: {  	v3 =	vld [tilespmem:s19+$0x12030]  }
0x50e: {  	v4 =	vld [tilespmem:s19+$0x120B0]  }
0x50f: {  	v5 =	vld [tilespmem:s19+$0x12130]  }
0x510: {  	v6 =	vld [tilespmem:s19+$0x121B0]  }
0x511: {  	v7 =	vld [tilespmem:s19+$0x12230]  }
0x512: {  	v8 =	vld [tilespmem:s19+$0x122B0]  }
0x513: {  	v9 =	vld [tilespmem:s19+$0x12330]  }
0x514: {  	[tilespmem:s17+$0x8030] =	vst.add.f32.msk $0xffff, v3  }
0x515: {  	[tilespmem:s17+$0x80B0] =	vst.add.f32.msk $0xffff, v4  }
0x516: {  	[tilespmem:s17+$0x8130] =	vst.add.f32.msk $0xffff, v5  }
0x517: {  	[tilespmem:s17+$0x81B0] =	vst.add.f32.msk $0xffff, v6  }
0x518: {  	[tilespmem:s17+$0x8230] =	vst.add.f32.msk $0xffff, v7  }
0x519: {  	[tilespmem:s17+$0x82B0] =	vst.add.f32.msk $0xffff, v8  }
0x51a: {  	[tilespmem:s17+$0x8330] =	vst.add.f32.msk $0xffff, v9  }
0x51b: {  	v3 =	vld [tilespmem:s19+$0x12040]  }
0x51c: {  	v4 =	vld [tilespmem:s19+$0x120C0]  }
0x51d: {  	v5 =	vld [tilespmem:s19+$0x12140]  }
0x51e: {  	v6 =	vld [tilespmem:s19+$0x121C0]  }
0x51f: {  	v7 =	vld [tilespmem:s19+$0x12240]  }
0x520: {  	v8 =	vld [tilespmem:s19+$0x122C0]  }
0x521: {  	v9 =	vld [tilespmem:s19+$0x12340]  }
0x522: {  	[tilespmem:s17+$0x8040] =	vst.add.f32.msk $0xffff, v3  }
0x523: {  	[tilespmem:s17+$0x80C0] =	vst.add.f32.msk $0xffff, v4  }
0x524: {  	[tilespmem:s17+$0x8140] =	vst.add.f32.msk $0xffff, v5  }
0x525: {  	[tilespmem:s17+$0x81C0] =	vst.add.f32.msk $0xffff, v6  }
0x526: {  	[tilespmem:s17+$0x8240] =	vst.add.f32.msk $0xffff, v7  }
0x527: {  	[tilespmem:s17+$0x82C0] =	vst.add.f32.msk $0xffff, v8  }
0x528: {  	[tilespmem:s17+$0x8340] =	vst.add.f32.msk $0xffff, v9  }
0x529: {  	v3 =	vld [tilespmem:s19+$0x12050]  }
0x52a: {  	v4 =	vld [tilespmem:s19+$0x120D0]  }
0x52b: {  	v5 =	vld [tilespmem:s19+$0x12150]  }
0x52c: {  	v6 =	vld [tilespmem:s19+$0x121D0]  }
0x52d: {  	v7 =	vld [tilespmem:s19+$0x12250]  }
0x52e: {  	v8 =	vld [tilespmem:s19+$0x122D0]  }
0x52f: {  	v9 =	vld [tilespmem:s19+$0x12350]  }
0x530: {  	[tilespmem:s17+$0x8050] =	vst.add.f32.msk $0xffff, v3  }
0x531: {  	[tilespmem:s17+$0x80D0] =	vst.add.f32.msk $0xffff, v4  }
0x532: {  	[tilespmem:s17+$0x8150] =	vst.add.f32.msk $0xffff, v5  }
0x533: {  	[tilespmem:s17+$0x81D0] =	vst.add.f32.msk $0xffff, v6  }
0x534: {  	[tilespmem:s17+$0x8250] =	vst.add.f32.msk $0xffff, v7  }
0x535: {  	[tilespmem:s17+$0x82D0] =	vst.add.f32.msk $0xffff, v8  }
0x536: {  	[tilespmem:s17+$0x8350] =	vst.add.f32.msk $0xffff, v9  }
0x537: {  	v3 =	vld [tilespmem:s19+$0x12060]  }
0x538: {  	v4 =	vld [tilespmem:s19+$0x120E0]  }
0x539: {  	v5 =	vld [tilespmem:s19+$0x12160]  }
0x53a: {  	v6 =	vld [tilespmem:s19+$0x121E0]  }
0x53b: {  	v7 =	vld [tilespmem:s19+$0x12260]  }
0x53c: {  	v8 =	vld [tilespmem:s19+$0x122E0]  }
0x53d: {  	v9 =	vld [tilespmem:s19+$0x12360]  }
0x53e: {  	[tilespmem:s17+$0x8060] =	vst.add.f32.msk $0xffff, v3  }
0x53f: {  	[tilespmem:s17+$0x80E0] =	vst.add.f32.msk $0xffff, v4  }
0x540: {  	[tilespmem:s17+$0x8160] =	vst.add.f32.msk $0xffff, v5  }
0x541: {  	[tilespmem:s17+$0x81E0] =	vst.add.f32.msk $0xffff, v6  }
0x542: {  	[tilespmem:s17+$0x8260] =	vst.add.f32.msk $0xffff, v7  }
0x543: {  	[tilespmem:s17+$0x82E0] =	vst.add.f32.msk $0xffff, v8  }
0x544: {  	[tilespmem:s17+$0x8360] =	vst.add.f32.msk $0xffff, v9  }
0x545: {  	v3 =	vld [tilespmem:s19+$0x12070]  }
0x546: {  	v4 =	vld [tilespmem:s19+$0x120F0]  }
0x547: {  	v5 =	vld [tilespmem:s19+$0x12170]  }
0x548: {  	v6 =	vld [tilespmem:s19+$0x121F0]  }
0x549: {  	v7 =	vld [tilespmem:s19+$0x12270]  }
0x54a: {  	v8 =	vld [tilespmem:s19+$0x122F0]  }
0x54b: {  	v9 =	vld [tilespmem:s19+$0x12370]  }
0x54c: {  	[tilespmem:s17+$0x8070] =	vst.add.f32.msk $0xffff, v3  }
0x54d: {  	[tilespmem:s17+$0x80F0] =	vst.add.f32.msk $0xffff, v4  }
0x54e: {  	[tilespmem:s17+$0x8170] =	vst.add.f32.msk $0xffff, v5  }
0x54f: {  	[tilespmem:s17+$0x81F0] =	vst.add.f32.msk $0xffff, v6  }
0x550: {  	[tilespmem:s17+$0x8270] =	vst.add.f32.msk $0xffff, v7  }
0x551: {  	[tilespmem:s17+$0x82F0] =	vst.add.f32.msk $0xffff, v8  }
0x552: {  	[tilespmem:s17+$0x8370] =	vst.add.f32.msk $0xffff, v9  }
0x553: {  	v3 =	vld [tilespmem:s20+$0x17C00]  }
0x554: {  	v4 =	vld [tilespmem:s20+$0x17C80]  }
0x555: {  	v5 =	vld [tilespmem:s20+$0x17D00]  }
0x556: {  	v6 =	vld [tilespmem:s20+$0x17D80]  }
0x557: {  	v7 =	vld [tilespmem:s20+$0x17E00]  }
0x558: {  	v8 =	vld [tilespmem:s20+$0x17E80]  }
0x559: {  	v9 =	vld [tilespmem:s20+$0x17F00]  }
0x55a: {  	[tilespmem:s17+$0x8400] =	vst.add.f32.msk $0xffff, v3  }
0x55b: {  	[tilespmem:s17+$0x8480] =	vst.add.f32.msk $0xffff, v4  }
0x55c: {  	[tilespmem:s17+$0x8500] =	vst.add.f32.msk $0xffff, v5  }
0x55d: {  	[tilespmem:s17+$0x8580] =	vst.add.f32.msk $0xffff, v6  }
0x55e: {  	[tilespmem:s17+$0x8600] =	vst.add.f32.msk $0xffff, v7  }
0x55f: {  	[tilespmem:s17+$0x8680] =	vst.add.f32.msk $0xffff, v8  }
0x560: {  	[tilespmem:s17+$0x8700] =	vst.add.f32.msk $0xffff, v9  }
0x561: {  	v3 =	vld [tilespmem:s20+$0x17C10]  }
0x562: {  	v4 =	vld [tilespmem:s20+$0x17C90]  }
0x563: {  	v5 =	vld [tilespmem:s20+$0x17D10]  }
0x564: {  	v6 =	vld [tilespmem:s20+$0x17D90]  }
0x565: {  	v7 =	vld [tilespmem:s20+$0x17E10]  }
0x566: {  	v8 =	vld [tilespmem:s20+$0x17E90]  }
0x567: {  	v9 =	vld [tilespmem:s20+$0x17F10]  }
0x568: {  	[tilespmem:s17+$0x8410] =	vst.add.f32.msk $0xffff, v3  }
0x569: {  	[tilespmem:s17+$0x8490] =	vst.add.f32.msk $0xffff, v4  }
0x56a: {  	[tilespmem:s17+$0x8510] =	vst.add.f32.msk $0xffff, v5  }
0x56b: {  	[tilespmem:s17+$0x8590] =	vst.add.f32.msk $0xffff, v6  }
0x56c: {  	[tilespmem:s17+$0x8610] =	vst.add.f32.msk $0xffff, v7  }
0x56d: {  	[tilespmem:s17+$0x8690] =	vst.add.f32.msk $0xffff, v8  }
0x56e: {  	[tilespmem:s17+$0x8710] =	vst.add.f32.msk $0xffff, v9  }
0x56f: {  	v5 =	vld [tilespmem:s20+$0x17C20]  }
0x570: {  	v6 =	vld [tilespmem:s20+$0x17CA0]  }
0x571: {  	v7 =	vld [tilespmem:s20+$0x17D20]  }
0x572: {  	v8 =	vld [tilespmem:s20+$0x17DA0]  }
0x573: {  	v9 =	vld [tilespmem:s20+$0x17E20]  }
0x574: {  	v4 =	vld [tilespmem:s20+$0x17EA0]  }
0x575: {  	v3 =	vld [tilespmem:s20+$0x17F20]  }
.Ltmp1:
0x576: {  	[tilespmem:s17+$0x8420] =	vst.add.f32.msk $0xffff, v5;
	(pc) =	sbr.rel @p0 .LBB2_5-.Ltmp1, $4  }
0x577: {  	[tilespmem:s17+$0x84A0] =	vst.add.f32.msk $0xffff, v6  }
0x578: {  	[tilespmem:s17+$0x8520] =	vst.add.f32.msk $0xffff, v7  }
0x579: {  	[tilespmem:s17+$0x85A0] =	vst.add.f32.msk $0xffff, v8  }
0x57a: {  	s18 =	sadd.s32 $0x8, s18;
	[tilespmem:s17+$0x8620] =	vst.add.f32.msk $0xffff, v9  }
0x57b: {  	s16 =	sadd.s32 $0x1, s16  }
0x57c: {  	p0 =	sne.s32 s16, $0x32  }
.Ltmp2:
0x57d: {  	_ = 	snop;
	(pc) =	sbr.rel @p0 .LBB2_2-.Ltmp2, $3  }
0x57e: {  	_ =	sdelay $0x1  }
0x57f: {  	[tilespmem:s17+$0x86A0] =	vst.add.f32.msk $0xffff, v4  }
0x580: {  	[tilespmem:s17+$0x8720] =	vst.add.f32.msk $0xffff, v3  }
0x581: {  	s15 =	sadd.s32 $0x1, s15  }
0x582: {  	p0 =	sne.s32 s15, s9  }
.Ltmp3:
0x583: {  	_ = 	snop;
	(pc) =	sbr.rel @p0 .LBB2_1-.Ltmp3, $4  }
0x584: {  	[hbm4b:s8+s2] =	stream.linear.scatter [tilespmem:s14], [sflag:$0x3], $0xC000, $0x38;
	[tilespmem:$0x19C00] =	vst v63  }
0x585: {  	_ =	swait.ge [sflag:s13], $0xC000  }
0x586: {  	[sflag:s13] =	ssyncset.done $0x0  }
0x587: {  	[sflag:s13] =	ssyncadd.s32 $0xFFFF4000  }
0x588: {  	_ =	sfence.sel $0x180000  }
0x589: {  	[bflag:$0x0] =	sbarrier.arrive $0xFFFF  }
0x58a: {  	_ =	strace $0x90000047  }
0x58b: {  	s0 =	stileid.u32;
	[bflag:$0x2] =	sbarrier.arrive $0xFFFF  }
0x58c: {  	p0 =	sne.s32 s0, $0x0;
	s0 =	rddreg [dreg:$0x3]  }
0x58d: {  	s0 =	sadd.s32 @!p0 $0x100000, s0  }
0x58e: {  	[sflag:s0] =	ssyncadd.tile.s32 @!p0 $0x1;
	_ =	shalt  }
.Lfunc_end2:
_tile_overlayer_lowered:
.L_overlay_start_2:
0x58f: {  	(tag) =	ssettag $0x2  }
0x590: {  	s0 =	rddreg [dreg:$0x0];
	s2 =	stileid.u32  }
0x591: {  	s1 =	rddreg [dreg:$0x1];
	p0 =	sne.s32 s2, $0x0  }
0x592: {  	s3 =	rddreg [dreg:$0x2];
	[bflag:$0x3] =	sbarrier.arrive $0xFFFF;
	s2 =	simm.s32 @!p0 $0x1C03  }
0x593: {  	[timem:s3], [sflag:s2] =	dma.local @!p0 [hbm:s0], s1  }
0x594: {  	s0 =	simm.s32 @!p0 $0x3  }
0x595: {  	_ =	swait.ge @!p0 [sflag:s0], s1  }
0x596: {  	s1 =	ssub.s32 @!p0 $0x0, s1;
	[sflag:s0] =	ssyncset.done @!p0 $0x0  }
0x597: {  	[sflag:s0] =	ssyncadd.s32 @!p0 s1  }
0x598: {  	[bflag:$0x3] =	sbarrier.arrive $0xFFFF  }
0x599: {  	_ =	shalt  }

</sc_bundles>
